<compile_context>
chip_gen: v7x
topology: tpu7x:2x2x1
jax: 0.10.2.dev20260603
libtpu: 0.0.44.dev20260713+nightly
codegen_flags: <defaults>
</compile_context>

<pallas_src>
import functools

import jax
import jax.numpy as jnp
from jax import lax
from jax.experimental import pallas as pl
from jax.experimental.pallas import tpu as pltpu
from jax.experimental.pallas import tpu_sc as plsc

_BATCH = 4096
_SENT = 50
_DIM = 64

_NC = 2
_NS = 16
_NW = _NC * _NS
_B = _BATCH * _SENT
_BPW = _B // _NW
_CHUNK = 128
_NCHUNK = _BPW // _CHUNK
_K = 5
_SUP = _K * _CHUNK
_NSUP = _BPW // _SUP


def _sc_embed(table, idx3):
    mesh = plsc.VectorSubcoreMesh(core_axis_name="c", subcore_axis_name="s")

    @functools.partial(
        pl.kernel,
        mesh=mesh,
        out_type=jax.ShapeDtypeStruct((_B, _DIM), jnp.float32),
        compiler_params=pltpu.CompilerParams(use_tc_tiling_on_sc=False),
        scratch_types=[
            pltpu.VMEM((_NCHUNK, _CHUNK), jnp.int32),
            pltpu.VMEM((_SUP, _DIM), jnp.float32),
            pltpu.VMEM((_SUP, _DIM), jnp.float32),
            pltpu.SemaphoreType.DMA,
            pltpu.SemaphoreType.DMA,
        ],
    )
    def body(table_hbm, idx_hbm, out_hbm, idx_v, rows_a, rows_b, gs_a, gs_b):
        wid = lax.axis_index("s") * _NC + lax.axis_index("c")
        base = wid * _BPW
        pltpu.sync_copy(idx_hbm.at[wid], idx_v)

        def fire(s, rows, gs):
            for t in range(_K):
                pltpu.async_copy(
                    table_hbm.at[idx_v.at[s * _K + t]],
                    rows.at[pl.ds(t * _CHUNK, _CHUNK)],
                    gs,
                )

        def drain(rows, gs):
            pltpu.make_async_copy(out_hbm.at[pl.ds(0, _SUP)], rows, gs).wait()

        def flush(s, rows, gs):
            drain(rows, gs)
            pltpu.sync_copy(rows, out_hbm.at[pl.ds(base + s * _SUP, _SUP)])

        fire(0, rows_a, gs_a)
        fire(1, rows_b, gs_b)

        def step(i, carry):
            s = 2 * i
            flush(s - 2, rows_a, gs_a)
            fire(s, rows_a, gs_a)
            flush(s - 1, rows_b, gs_b)
            fire(s + 1, rows_b, gs_b)
            return carry

        lax.fori_loop(1, _NSUP // 2, step, 0)
        flush(_NSUP - 2, rows_a, gs_a)
        flush(_NSUP - 1, rows_b, gs_b)

    return body(table, idx3)


def kernel(batch, table):
    idx3 = batch.reshape(_NW, _NCHUNK, _CHUNK)
    out = _sc_embed(table, idx3)
    return out.reshape(_BATCH, _SENT, _DIM)

# --- scband reference (transcript-rebuilt; emitter-appended) ---
"""Pipeline reference for scband-embedding-vectorizer-69750268887508 (READ-ONLY COPY).

The authoritative reference and input builder live on the scoring server;
editing this copy changes nothing except your own understanding.
"""

import jax, jax.numpy as jnp
import numpy as np

BATCH = 4096
SENT_LEN = 50
VOCAB = 100000
EMBED_DIM = 64


def setup_inputs(seed: int = 0) -> dict:
    key = jax.random.key(seed)
    k1, k2 = jax.random.split(key)
    batch = jax.random.randint(k1, (BATCH, SENT_LEN), 0, VOCAB, dtype=jnp.int32)
    table = jax.random.normal(k2, (VOCAB, EMBED_DIM), dtype=jnp.float32)
    return {"batch": batch, "table": table}


def reference(batch, table):
    # Faithful translation: flatten batch of index sequences, embed, reshape.
    batch_size = batch.shape[0]
    sent_len = batch.shape[1]
    flatten = batch.reshape(-1)
    emb = jnp.take(table, flatten, axis=0)
    return emb.reshape(batch_size, sent_len, -1)

if __name__ == "__main__":
    import jax
    _d = setup_inputs()
    print(jax.jit(kernel)(*tuple(_d.values())))

</pallas_src>

<mosaic_0001>
#map = affine_map<(d0, d1) -> (0, 0)>
#map1 = affine_map<(d0, d1) -> (0, 0, 0)>
module attributes {stable_mosaic.version = 14 : i64} {
  func.func @body(%arg0: i32, %arg1: i32, %arg2: memref<100000x64xf32, #tpu.memory_space<hbm>>, %arg3: memref<32x50x128xi32, #tpu.memory_space<hbm>>, %arg4: memref<204800x64xf32, #tpu.memory_space<hbm>>, %arg5: memref<50x128xi32, #tpu.memory_space<vmem>>, %arg6: memref<640x64xf32, #tpu.memory_space<vmem>>, %arg7: memref<640x64xf32, #tpu.memory_space<vmem>>, %arg8: memref<!tpu.dma_semaphore, #tpu.memory_space<semaphore_mem>>, %arg9: memref<!tpu.dma_semaphore, #tpu.memory_space<semaphore_mem>>) attributes {dimension_semantics = [#tpu.dimension_semantics<core_parallel>, #tpu.dimension_semantics<subcore_parallel>], iteration_bounds = array<i64: 2, 16>, scalar_prefetch = 0 : i64, scratch_operands = 5 : i64, tpu.core_type = #tpu.core_type<sc_vector_subcore>, window_params = [{transform_indices = #map}, {transform_indices = #map1}, {transform_indices = #map}]} {
    %mul3A = arith.constant 2 : i32
    %mul3A_0 = arith.muli %arg1, %mul3A : i32
    %add3A = arith.addi %mul3A_0, %arg0 : i32
    %mul3A_1 = arith.constant 6400 : i32
    %mul3A_2 = arith.muli %add3A, %mul3A_1 : i32
    "tpu.region"() ({
      %run_scoped3A = tpu.sem_alloc : memref<!tpu.dma_semaphore, #tpu.memory_space<semaphore_mem>>
      %dma_start3A_122 = arith.constant 0 : i32
      %dma_start3A_123 = arith.constant 0 : i32
      %dma_start3A_124 = tpu.memref_slice %arg3[%add3A, %dma_start3A_122, %dma_start3A_123] : memref<32x50x128xi32, #tpu.memory_space<hbm>> -> memref<1x50x128xi32, #tpu.memory_space<hbm>>
      %dma_start3A_125 = tpu.memref_squeeze %dma_start3A_124 : memref<1x50x128xi32, #tpu.memory_space<hbm>> -> memref<50x128xi32, #tpu.memory_space<hbm>>
      %dma_start3A_126 = arith.constant 0 : i32
      %dma_start3A_127 = arith.constant 0 : i32
      %dma_start3A_128 = tpu.memref_slice %arg3[%add3A, %dma_start3A_126, %dma_start3A_127] : memref<32x50x128xi32, #tpu.memory_space<hbm>> -> memref<1x50x128xi32, #tpu.memory_space<hbm>>
      %dma_start3A_129 = tpu.memref_squeeze %dma_start3A_128 : memref<1x50x128xi32, #tpu.memory_space<hbm>> -> memref<50x128xi32, #tpu.memory_space<hbm>>
      tpu.enqueue_dma source(%dma_start3A_129 : memref<50x128xi32, #tpu.memory_space<hbm>>) target(%arg5 : memref<50x128xi32, #tpu.memory_space<vmem>>) target_semaphore(%run_scoped3A : memref<!tpu.dma_semaphore, #tpu.memory_space<semaphore_mem>>)
      %dma_wait3A_130 = arith.constant 0 : i32
      %dma_wait3A_131 = arith.constant 0 : i32
      %dma_wait3A_132 = tpu.memref_slice %arg3[%add3A, %dma_wait3A_130, %dma_wait3A_131] : memref<32x50x128xi32, #tpu.memory_space<hbm>> -> memref<1x50x128xi32, #tpu.memory_space<hbm>>
      %dma_wait3A_133 = tpu.memref_squeeze %dma_wait3A_132 : memref<1x50x128xi32, #tpu.memory_space<hbm>> -> memref<50x128xi32, #tpu.memory_space<hbm>>
      %dma_wait3A_134 = arith.constant 0 : i32
      %dma_wait3A_135 = arith.constant 0 : i32
      %dma_wait3A_136 = tpu.memref_slice %arg3[%add3A, %dma_wait3A_134, %dma_wait3A_135] : memref<32x50x128xi32, #tpu.memory_space<hbm>> -> memref<1x50x128xi32, #tpu.memory_space<hbm>>
      %dma_wait3A_137 = tpu.memref_squeeze %dma_wait3A_136 : memref<1x50x128xi32, #tpu.memory_space<hbm>> -> memref<50x128xi32, #tpu.memory_space<hbm>>
      tpu.wait_dma2 semaphore(%run_scoped3A : memref<!tpu.dma_semaphore, #tpu.memory_space<semaphore_mem>>) src(%dma_wait3A_137 : memref<50x128xi32, #tpu.memory_space<hbm>>) dst(%arg5 : memref<50x128xi32, #tpu.memory_space<vmem>>)
      tpu.yield
    }) : () -> ()
    %dma_start3A = arith.constant 0 : i32
    %dma_start3A_3 = arith.constant 0 : i32
    %dma_start3A_4 = arith.constant 0 : i32
    %dma_start3A_5 = tpu.memref_slice %arg6[%dma_start3A_3, %dma_start3A_4] : memref<640x64xf32, #tpu.memory_space<vmem>> -> memref<128x64xf32, #tpu.memory_space<vmem>>
    %dma_start3A_6 = arith.constant 0 : i32
    %dma_start3A_7 = tpu.memref_slice %arg5[%dma_start3A, %dma_start3A_6] : memref<50x128xi32, #tpu.memory_space<vmem>> -> memref<1x128xi32, #tpu.memory_space<vmem>>
    %dma_start3A_8 = tpu.memref_squeeze %dma_start3A_7 : memref<1x128xi32, #tpu.memory_space<vmem>> -> memref<128xi32, #tpu.memory_space<vmem>>
    %dma_start3A_9 = arith.constant 0 : i32
    %dma_start3A_10 = arith.constant 0 : i32
    %dma_start3A_11 = tpu.memref_slice %arg2[%dma_start3A_9, %dma_start3A_10] : memref<100000x64xf32, #tpu.memory_space<hbm>> -> memref<100000x64xf32, #tpu.memory_space<hbm>>
    tpu.enqueue_indirect_dma source(%dma_start3A_11 : memref<100000x64xf32, #tpu.memory_space<hbm>>) target(%dma_start3A_5 : memref<128x64xf32, #tpu.memory_space<vmem>>) offsets(%dma_start3A_8 : memref<128xi32, #tpu.memory_space<vmem>>) semaphore(%arg8 : memref<!tpu.dma_semaphore, #tpu.memory_space<semaphore_mem>>)
    %dma_start3A_12 = arith.constant 1 : i32
    %dma_start3A_13 = arith.constant 128 : i32
    %dma_start3A_14 = arith.constant 0 : i32
    %dma_start3A_15 = tpu.memref_slice %arg6[%dma_start3A_13, %dma_start3A_14] : memref<640x64xf32, #tpu.memory_space<vmem>> -> memref<128x64xf32, #tpu.memory_space<vmem>>
    %dma_start3A_16 = arith.constant 0 : i32
    %dma_start3A_17 = tpu.memref_slice %arg5[%dma_start3A_12, %dma_start3A_16] : memref<50x128xi32, #tpu.memory_space<vmem>> -> memref<1x128xi32, #tpu.memory_space<vmem>>
    %dma_start3A_18 = tpu.memref_squeeze %dma_start3A_17 : memref<1x128xi32, #tpu.memory_space<vmem>> -> memref<128xi32, #tpu.memory_space<vmem>>
    %dma_start3A_19 = arith.constant 0 : i32
    %dma_start3A_20 = arith.constant 0 : i32
    %dma_start3A_21 = tpu.memref_slice %arg2[%dma_start3A_19, %dma_start3A_20] : memref<100000x64xf32, #tpu.memory_space<hbm>> -> memref<100000x64xf32, #tpu.memory_space<hbm>>
    tpu.enqueue_indirect_dma source(%dma_start3A_21 : memref<100000x64xf32, #tpu.memory_space<hbm>>) target(%dma_start3A_15 : memref<128x64xf32, #tpu.memory_space<vmem>>) offsets(%dma_start3A_18 : memref<128xi32, #tpu.memory_space<vmem>>) semaphore(%arg8 : memref<!tpu.dma_semaphore, #tpu.memory_space<semaphore_mem>>)
    %dma_start3A_22 = arith.constant 2 : i32
    %dma_start3A_23 = arith.constant 256 : i32
    %dma_start3A_24 = arith.constant 0 : i32
    %dma_start3A_25 = tpu.memref_slice %arg6[%dma_start3A_23, %dma_start3A_24] : memref<640x64xf32, #tpu.memory_space<vmem>> -> memref<128x64xf32, #tpu.memory_space<vmem>>
    %dma_start3A_26 = arith.constant 0 : i32
    %dma_start3A_27 = tpu.memref_slice %arg5[%dma_start3A_22, %dma_start3A_26] : memref<50x128xi32, #tpu.memory_space<vmem>> -> memref<1x128xi32, #tpu.memory_space<vmem>>
    %dma_start3A_28 = tpu.memref_squeeze %dma_start3A_27 : memref<1x128xi32, #tpu.memory_space<vmem>> -> memref<128xi32, #tpu.memory_space<vmem>>
    %dma_start3A_29 = arith.constant 0 : i32
    %dma_start3A_30 = arith.constant 0 : i32
    %dma_start3A_31 = tpu.memref_slice %arg2[%dma_start3A_29, %dma_start3A_30] : memref<100000x64xf32, #tpu.memory_space<hbm>> -> memref<100000x64xf32, #tpu.memory_space<hbm>>
    tpu.enqueue_indirect_dma source(%dma_start3A_31 : memref<100000x64xf32, #tpu.memory_space<hbm>>) target(%dma_start3A_25 : memref<128x64xf32, #tpu.memory_space<vmem>>) offsets(%dma_start3A_28 : memref<128xi32, #tpu.memory_space<vmem>>) semaphore(%arg8 : memref<!tpu.dma_semaphore, #tpu.memory_space<semaphore_mem>>)
    %dma_start3A_32 = arith.constant 3 : i32
    %dma_start3A_33 = arith.constant 384 : i32
    %dma_start3A_34 = arith.constant 0 : i32
    %dma_start3A_35 = tpu.memref_slice %arg6[%dma_start3A_33, %dma_start3A_34] : memref<640x64xf32, #tpu.memory_space<vmem>> -> memref<128x64xf32, #tpu.memory_space<vmem>>
    %dma_start3A_36 = arith.constant 0 : i32
    %dma_start3A_37 = tpu.memref_slice %arg5[%dma_start3A_32, %dma_start3A_36] : memref<50x128xi32, #tpu.memory_space<vmem>> -> memref<1x128xi32, #tpu.memory_space<vmem>>
    %dma_start3A_38 = tpu.memref_squeeze %dma_start3A_37 : memref<1x128xi32, #tpu.memory_space<vmem>> -> memref<128xi32, #tpu.memory_space<vmem>>
    %dma_start3A_39 = arith.constant 0 : i32
    %dma_start3A_40 = arith.constant 0 : i32
    %dma_start3A_41 = tpu.memref_slice %arg2[%dma_start3A_39, %dma_start3A_40] : memref<100000x64xf32, #tpu.memory_space<hbm>> -> memref<100000x64xf32, #tpu.memory_space<hbm>>
    tpu.enqueue_indirect_dma source(%dma_start3A_41 : memref<100000x64xf32, #tpu.memory_space<hbm>>) target(%dma_start3A_35 : memref<128x64xf32, #tpu.memory_space<vmem>>) offsets(%dma_start3A_38 : memref<128xi32, #tpu.memory_space<vmem>>) semaphore(%arg8 : memref<!tpu.dma_semaphore, #tpu.memory_space<semaphore_mem>>)
    %dma_start3A_42 = arith.constant 4 : i32
    %dma_start3A_43 = arith.constant 512 : i32
    %dma_start3A_44 = arith.constant 0 : i32
    %dma_start3A_45 = tpu.memref_slice %arg6[%dma_start3A_43, %dma_start3A_44] : memref<640x64xf32, #tpu.memory_space<vmem>> -> memref<128x64xf32, #tpu.memory_space<vmem>>
    %dma_start3A_46 = arith.constant 0 : i32
    %dma_start3A_47 = tpu.memref_slice %arg5[%dma_start3A_42, %dma_start3A_46] : memref<50x128xi32, #tpu.memory_space<vmem>> -> memref<1x128xi32, #tpu.memory_space<vmem>>
    %dma_start3A_48 = tpu.memref_squeeze %dma_start3A_47 : memref<1x128xi32, #tpu.memory_space<vmem>> -> memref<128xi32, #tpu.memory_space<vmem>>
    %dma_start3A_49 = arith.constant 0 : i32
    %dma_start3A_50 = arith.constant 0 : i32
    %dma_start3A_51 = tpu.memref_slice %arg2[%dma_start3A_49, %dma_start3A_50] : memref<100000x64xf32, #tpu.memory_space<hbm>> -> memref<100000x64xf32, #tpu.memory_space<hbm>>
    tpu.enqueue_indirect_dma source(%dma_start3A_51 : memref<100000x64xf32, #tpu.memory_space<hbm>>) target(%dma_start3A_45 : memref<128x64xf32, #tpu.memory_space<vmem>>) offsets(%dma_start3A_48 : memref<128xi32, #tpu.memory_space<vmem>>) semaphore(%arg8 : memref<!tpu.dma_semaphore, #tpu.memory_space<semaphore_mem>>)
    %dma_start3A_52 = arith.constant 5 : i32
    %dma_start3A_53 = arith.constant 0 : i32
    %dma_start3A_54 = arith.constant 0 : i32
    %dma_start3A_55 = tpu.memref_slice %arg7[%dma_start3A_53, %dma_start3A_54] : memref<640x64xf32, #tpu.memory_space<vmem>> -> memref<128x64xf32, #tpu.memory_space<vmem>>
    %dma_start3A_56 = arith.constant 0 : i32
    %dma_start3A_57 = tpu.memref_slice %arg5[%dma_start3A_52, %dma_start3A_56] : memref<50x128xi32, #tpu.memory_space<vmem>> -> memref<1x128xi32, #tpu.memory_space<vmem>>
    %dma_start3A_58 = tpu.memref_squeeze %dma_start3A_57 : memref<1x128xi32, #tpu.memory_space<vmem>> -> memref<128xi32, #tpu.memory_space<vmem>>
    %dma_start3A_59 = arith.constant 0 : i32
    %dma_start3A_60 = arith.constant 0 : i32
    %dma_start3A_61 = tpu.memref_slice %arg2[%dma_start3A_59, %dma_start3A_60] : memref<100000x64xf32, #tpu.memory_space<hbm>> -> memref<100000x64xf32, #tpu.memory_space<hbm>>
    tpu.enqueue_indirect_dma source(%dma_start3A_61 : memref<100000x64xf32, #tpu.memory_space<hbm>>) target(%dma_start3A_55 : memref<128x64xf32, #tpu.memory_space<vmem>>) offsets(%dma_start3A_58 : memref<128xi32, #tpu.memory_space<vmem>>) semaphore(%arg9 : memref<!tpu.dma_semaphore, #tpu.memory_space<semaphore_mem>>)
    %dma_start3A_62 = arith.constant 6 : i32
    %dma_start3A_63 = arith.constant 128 : i32
    %dma_start3A_64 = arith.constant 0 : i32
    %dma_start3A_65 = tpu.memref_slice %arg7[%dma_start3A_63, %dma_start3A_64] : memref<640x64xf32, #tpu.memory_space<vmem>> -> memref<128x64xf32, #tpu.memory_space<vmem>>
    %dma_start3A_66 = arith.constant 0 : i32
    %dma_start3A_67 = tpu.memref_slice %arg5[%dma_start3A_62, %dma_start3A_66] : memref<50x128xi32, #tpu.memory_space<vmem>> -> memref<1x128xi32, #tpu.memory_space<vmem>>
    %dma_start3A_68 = tpu.memref_squeeze %dma_start3A_67 : memref<1x128xi32, #tpu.memory_space<vmem>> -> memref<128xi32, #tpu.memory_space<vmem>>
    %dma_start3A_69 = arith.constant 0 : i32
    %dma_start3A_70 = arith.constant 0 : i32
    %dma_start3A_71 = tpu.memref_slice %arg2[%dma_start3A_69, %dma_start3A_70] : memref<100000x64xf32, #tpu.memory_space<hbm>> -> memref<100000x64xf32, #tpu.memory_space<hbm>>
    tpu.enqueue_indirect_dma source(%dma_start3A_71 : memref<100000x64xf32, #tpu.memory_space<hbm>>) target(%dma_start3A_65 : memref<128x64xf32, #tpu.memory_space<vmem>>) offsets(%dma_start3A_68 : memref<128xi32, #tpu.memory_space<vmem>>) semaphore(%arg9 : memref<!tpu.dma_semaphore, #tpu.memory_space<semaphore_mem>>)
    %dma_start3A_72 = arith.constant 7 : i32
    %dma_start3A_73 = arith.constant 256 : i32
    %dma_start3A_74 = arith.constant 0 : i32
    %dma_start3A_75 = tpu.memref_slice %arg7[%dma_start3A_73, %dma_start3A_74] : memref<640x64xf32, #tpu.memory_space<vmem>> -> memref<128x64xf32, #tpu.memory_space<vmem>>
    %dma_start3A_76 = arith.constant 0 : i32
    %dma_start3A_77 = tpu.memref_slice %arg5[%dma_start3A_72, %dma_start3A_76] : memref<50x128xi32, #tpu.memory_space<vmem>> -> memref<1x128xi32, #tpu.memory_space<vmem>>
    %dma_start3A_78 = tpu.memref_squeeze %dma_start3A_77 : memref<1x128xi32, #tpu.memory_space<vmem>> -> memref<128xi32, #tpu.memory_space<vmem>>
    %dma_start3A_79 = arith.constant 0 : i32
    %dma_start3A_80 = arith.constant 0 : i32
    %dma_start3A_81 = tpu.memref_slice %arg2[%dma_start3A_79, %dma_start3A_80] : memref<100000x64xf32, #tpu.memory_space<hbm>> -> memref<100000x64xf32, #tpu.memory_space<hbm>>
    tpu.enqueue_indirect_dma source(%dma_start3A_81 : memref<100000x64xf32, #tpu.memory_space<hbm>>) target(%dma_start3A_75 : memref<128x64xf32, #tpu.memory_space<vmem>>) offsets(%dma_start3A_78 : memref<128xi32, #tpu.memory_space<vmem>>) semaphore(%arg9 : memref<!tpu.dma_semaphore, #tpu.memory_space<semaphore_mem>>)
    %dma_start3A_82 = arith.constant 8 : i32
    %dma_start3A_83 = arith.constant 384 : i32
    %dma_start3A_84 = arith.constant 0 : i32
    %dma_start3A_85 = tpu.memref_slice %arg7[%dma_start3A_83, %dma_start3A_84] : memref<640x64xf32, #tpu.memory_space<vmem>> -> memref<128x64xf32, #tpu.memory_space<vmem>>
    %dma_start3A_86 = arith.constant 0 : i32
    %dma_start3A_87 = tpu.memref_slice %arg5[%dma_start3A_82, %dma_start3A_86] : memref<50x128xi32, #tpu.memory_space<vmem>> -> memref<1x128xi32, #tpu.memory_space<vmem>>
    %dma_start3A_88 = tpu.memref_squeeze %dma_start3A_87 : memref<1x128xi32, #tpu.memory_space<vmem>> -> memref<128xi32, #tpu.memory_space<vmem>>
    %dma_start3A_89 = arith.constant 0 : i32
    %dma_start3A_90 = arith.constant 0 : i32
    %dma_start3A_91 = tpu.memref_slice %arg2[%dma_start3A_89, %dma_start3A_90] : memref<100000x64xf32, #tpu.memory_space<hbm>> -> memref<100000x64xf32, #tpu.memory_space<hbm>>
    tpu.enqueue_indirect_dma source(%dma_start3A_91 : memref<100000x64xf32, #tpu.memory_space<hbm>>) target(%dma_start3A_85 : memref<128x64xf32, #tpu.memory_space<vmem>>) offsets(%dma_start3A_88 : memref<128xi32, #tpu.memory_space<vmem>>) semaphore(%arg9 : memref<!tpu.dma_semaphore, #tpu.memory_space<semaphore_mem>>)
    %dma_start3A_92 = arith.constant 9 : i32
    %dma_start3A_93 = arith.constant 512 : i32
    %dma_start3A_94 = arith.constant 0 : i32
    %dma_start3A_95 = tpu.memref_slice %arg7[%dma_start3A_93, %dma_start3A_94] : memref<640x64xf32, #tpu.memory_space<vmem>> -> memref<128x64xf32, #tpu.memory_space<vmem>>
    %dma_start3A_96 = arith.constant 0 : i32
    %dma_start3A_97 = tpu.memref_slice %arg5[%dma_start3A_92, %dma_start3A_96] : memref<50x128xi32, #tpu.memory_space<vmem>> -> memref<1x128xi32, #tpu.memory_space<vmem>>
    %dma_start3A_98 = tpu.memref_squeeze %dma_start3A_97 : memref<1x128xi32, #tpu.memory_space<vmem>> -> memref<128xi32, #tpu.memory_space<vmem>>
    %dma_start3A_99 = arith.constant 0 : i32
    %dma_start3A_100 = arith.constant 0 : i32
    %dma_start3A_101 = tpu.memref_slice %arg2[%dma_start3A_99, %dma_start3A_100] : memref<100000x64xf32, #tpu.memory_space<hbm>> -> memref<100000x64xf32, #tpu.memory_space<hbm>>
    tpu.enqueue_indirect_dma source(%dma_start3A_101 : memref<100000x64xf32, #tpu.memory_space<hbm>>) target(%dma_start3A_95 : memref<128x64xf32, #tpu.memory_space<vmem>>) offsets(%dma_start3A_98 : memref<128xi32, #tpu.memory_space<vmem>>) semaphore(%arg9 : memref<!tpu.dma_semaphore, #tpu.memory_space<semaphore_mem>>)
    %scan3A = arith.constant 0 : i32
    %scan3A_102 = arith.constant 1 : i32
    %scan3A_103 = arith.constant 4 : i32
    %scan3A_104 = arith.addi %scan3A_102, %scan3A_103 : i32
    %scan3A_105 = arith.constant 1 : i32
    scf.for %scan3A_122 = %scan3A_102 to %scan3A_104 step %scan3A_105  : i32 {
      %mul3A_123 = arith.constant 2 : i32
      %mul3A_124 = arith.muli %mul3A_123, %scan3A_122 : i32
      %sub3A = arith.constant 2 : i32
      %sub3A_125 = arith.subi %mul3A_124, %sub3A : i32
      %dma_wait3A_126 = arith.constant 0 : i32
      %dma_wait3A_127 = arith.constant 0 : i32
      %dma_wait3A_128 = tpu.memref_slice %arg4[%dma_wait3A_126, %dma_wait3A_127] : memref<204800x64xf32, #tpu.memory_space<hbm>> -> memref<640x64xf32, #tpu.memory_space<hbm>>
      %dma_wait3A_129 = arith.constant 0 : i32
      %dma_wait3A_130 = arith.constant 0 : i32
      %dma_wait3A_131 = tpu.memref_slice %arg4[%dma_wait3A_129, %dma_wait3A_130] : memref<204800x64xf32, #tpu.memory_space<hbm>> -> memref<640x64xf32, #tpu.memory_space<hbm>>
      tpu.wait_dma2 semaphore(%arg8 : memref<!tpu.dma_semaphore, #tpu.memory_space<semaphore_mem>>) src(%dma_wait3A_131 : memref<640x64xf32, #tpu.memory_space<hbm>>) dst(%arg6 : memref<640x64xf32, #tpu.memory_space<vmem>>)
      %mul3A_132 = arith.constant 640 : i32
      %mul3A_133 = arith.muli %sub3A_125, %mul3A_132 : i32
      %add3A_134 = arith.addi %mul3A_2, %mul3A_133 : i32
      "tpu.region"() ({
        %run_scoped3A = tpu.sem_alloc : memref<!tpu.dma_semaphore, #tpu.memory_space<semaphore_mem>>
        %dma_start3A_278 = arith.constant 0 : i32
        %dma_start3A_279 = tpu.memref_slice %arg4[%add3A_134, %dma_start3A_278] : memref<204800x64xf32, #tpu.memory_space<hbm>> -> memref<640x64xf32, #tpu.memory_space<hbm>>
        %dma_start3A_280 = arith.constant 0 : i32
        %dma_start3A_281 = tpu.memref_slice %arg4[%add3A_134, %dma_start3A_280] : memref<204800x64xf32, #tpu.memory_space<hbm>> -> memref<640x64xf32, #tpu.memory_space<hbm>>
        tpu.enqueue_dma source(%arg6 : memref<640x64xf32, #tpu.memory_space<vmem>>) target(%dma_start3A_281 : memref<640x64xf32, #tpu.memory_space<hbm>>) target_semaphore(%run_scoped3A : memref<!tpu.dma_semaphore, #tpu.memory_space<semaphore_mem>>)
        %dma_wait3A_282 = arith.constant 0 : i32
        %dma_wait3A_283 = tpu.memref_slice %arg4[%add3A_134, %dma_wait3A_282] : memref<204800x64xf32, #tpu.memory_space<hbm>> -> memref<640x64xf32, #tpu.memory_space<hbm>>
        %dma_wait3A_284 = arith.constant 0 : i32
        %dma_wait3A_285 = tpu.memref_slice %arg4[%add3A_134, %dma_wait3A_284] : memref<204800x64xf32, #tpu.memory_space<hbm>> -> memref<640x64xf32, #tpu.memory_space<hbm>>
        tpu.wait_dma2 semaphore(%run_scoped3A : memref<!tpu.dma_semaphore, #tpu.memory_space<semaphore_mem>>) src(%arg6 : memref<640x64xf32, #tpu.memory_space<vmem>>) dst(%dma_wait3A_285 : memref<640x64xf32, #tpu.memory_space<hbm>>)
        tpu.yield
      }) : () -> ()
      %mul3A_135 = arith.constant 5 : i32
      %mul3A_136 = arith.muli %mul3A_124, %mul3A_135 : i32
      %add3A_137 = arith.constant 0 : i32
      %add3A_138 = arith.addi %mul3A_136, %add3A_137 : i32
      %dma_start3A_139 = arith.constant 0 : i32
      %dma_start3A_140 = arith.constant 0 : i32
      %dma_start3A_141 = tpu.memref_slice %arg6[%dma_start3A_139, %dma_start3A_140] : memref<640x64xf32, #tpu.memory_space<vmem>> -> memref<128x64xf32, #tpu.memory_space<vmem>>
      %dma_start3A_142 = arith.constant 0 : i32
      %dma_start3A_143 = tpu.memref_slice %arg5[%add3A_138, %dma_start3A_142] : memref<50x128xi32, #tpu.memory_space<vmem>> -> memref<1x128xi32, #tpu.memory_space<vmem>>
      %dma_start3A_144 = tpu.memref_squeeze %dma_start3A_143 : memref<1x128xi32, #tpu.memory_space<vmem>> -> memref<128xi32, #tpu.memory_space<vmem>>
      %dma_start3A_145 = arith.constant 0 : i32
      %dma_start3A_146 = arith.constant 0 : i32
      %dma_start3A_147 = tpu.memref_slice %arg2[%dma_start3A_145, %dma_start3A_146] : memref<100000x64xf32, #tpu.memory_space<hbm>> -> memref<100000x64xf32, #tpu.memory_space<hbm>>
      tpu.enqueue_indirect_dma source(%dma_start3A_147 : memref<100000x64xf32, #tpu.memory_space<hbm>>) target(%dma_start3A_141 : memref<128x64xf32, #tpu.memory_space<vmem>>) offsets(%dma_start3A_144 : memref<128xi32, #tpu.memory_space<vmem>>) semaphore(%arg8 : memref<!tpu.dma_semaphore, #tpu.memory_space<semaphore_mem>>)
      %mul3A_148 = arith.constant 5 : i32
      %mul3A_149 = arith.muli %mul3A_124, %mul3A_148 : i32
      %add3A_150 = arith.constant 1 : i32
      %add3A_151 = arith.addi %mul3A_149, %add3A_150 : i32
      %dma_start3A_152 = arith.constant 128 : i32
      %dma_start3A_153 = arith.constant 0 : i32
      %dma_start3A_154 = tpu.memref_slice %arg6[%dma_start3A_152, %dma_start3A_153] : memref<640x64xf32, #tpu.memory_space<vmem>> -> memref<128x64xf32, #tpu.memory_space<vmem>>
      %dma_start3A_155 = arith.constant 0 : i32
      %dma_start3A_156 = tpu.memref_slice %arg5[%add3A_151, %dma_start3A_155] : memref<50x128xi32, #tpu.memory_space<vmem>> -> memref<1x128xi32, #tpu.memory_space<vmem>>
      %dma_start3A_157 = tpu.memref_squeeze %dma_start3A_156 : memref<1x128xi32, #tpu.memory_space<vmem>> -> memref<128xi32, #tpu.memory_space<vmem>>
      %dma_start3A_158 = arith.constant 0 : i32
      %dma_start3A_159 = arith.constant 0 : i32
      %dma_start3A_160 = tpu.memref_slice %arg2[%dma_start3A_158, %dma_start3A_159] : memref<100000x64xf32, #tpu.memory_space<hbm>> -> memref<100000x64xf32, #tpu.memory_space<hbm>>
      tpu.enqueue_indirect_dma source(%dma_start3A_160 : memref<100000x64xf32, #tpu.memory_space<hbm>>) target(%dma_start3A_154 : memref<128x64xf32, #tpu.memory_space<vmem>>) offsets(%dma_start3A_157 : memref<128xi32, #tpu.memory_space<vmem>>) semaphore(%arg8 : memref<!tpu.dma_semaphore, #tpu.memory_space<semaphore_mem>>)
      %mul3A_161 = arith.constant 5 : i32
      %mul3A_162 = arith.muli %mul3A_124, %mul3A_161 : i32
      %add3A_163 = arith.constant 2 : i32
      %add3A_164 = arith.addi %mul3A_162, %add3A_163 : i32
      %dma_start3A_165 = arith.constant 256 : i32
      %dma_start3A_166 = arith.constant 0 : i32
      %dma_start3A_167 = tpu.memref_slice %arg6[%dma_start3A_165, %dma_start3A_166] : memref<640x64xf32, #tpu.memory_space<vmem>> -> memref<128x64xf32, #tpu.memory_space<vmem>>
      %dma_start3A_168 = arith.constant 0 : i32
      %dma_start3A_169 = tpu.memref_slice %arg5[%add3A_164, %dma_start3A_168] : memref<50x128xi32, #tpu.memory_space<vmem>> -> memref<1x128xi32, #tpu.memory_space<vmem>>
      %dma_start3A_170 = tpu.memref_squeeze %dma_start3A_169 : memref<1x128xi32, #tpu.memory_space<vmem>> -> memref<128xi32, #tpu.memory_space<vmem>>
      %dma_start3A_171 = arith.constant 0 : i32
      %dma_start3A_172 = arith.constant 0 : i32
      %dma_start3A_173 = tpu.memref_slice %arg2[%dma_start3A_171, %dma_start3A_172] : memref<100000x64xf32, #tpu.memory_space<hbm>> -> memref<100000x64xf32, #tpu.memory_space<hbm>>
      tpu.enqueue_indirect_dma source(%dma_start3A_173 : memref<100000x64xf32, #tpu.memory_space<hbm>>) target(%dma_start3A_167 : memref<128x64xf32, #tpu.memory_space<vmem>>) offsets(%dma_start3A_170 : memref<128xi32, #tpu.memory_space<vmem>>) semaphore(%arg8 : memref<!tpu.dma_semaphore, #tpu.memory_space<semaphore_mem>>)
      %mul3A_174 = arith.constant 5 : i32
      %mul3A_175 = arith.muli %mul3A_124, %mul3A_174 : i32
      %add3A_176 = arith.constant 3 : i32
      %add3A_177 = arith.addi %mul3A_175, %add3A_176 : i32
      %dma_start3A_178 = arith.constant 384 : i32
      %dma_start3A_179 = arith.constant 0 : i32
      %dma_start3A_180 = tpu.memref_slice %arg6[%dma_start3A_178, %dma_start3A_179] : memref<640x64xf32, #tpu.memory_space<vmem>> -> memref<128x64xf32, #tpu.memory_space<vmem>>
      %dma_start3A_181 = arith.constant 0 : i32
      %dma_start3A_182 = tpu.memref_slice %arg5[%add3A_177, %dma_start3A_181] : memref<50x128xi32, #tpu.memory_space<vmem>> -> memref<1x128xi32, #tpu.memory_space<vmem>>
      %dma_start3A_183 = tpu.memref_squeeze %dma_start3A_182 : memref<1x128xi32, #tpu.memory_space<vmem>> -> memref<128xi32, #tpu.memory_space<vmem>>
      %dma_start3A_184 = arith.constant 0 : i32
      %dma_start3A_185 = arith.constant 0 : i32
      %dma_start3A_186 = tpu.memref_slice %arg2[%dma_start3A_184, %dma_start3A_185] : memref<100000x64xf32, #tpu.memory_space<hbm>> -> memref<100000x64xf32, #tpu.memory_space<hbm>>
      tpu.enqueue_indirect_dma source(%dma_start3A_186 : memref<100000x64xf32, #tpu.memory_space<hbm>>) target(%dma_start3A_180 : memref<128x64xf32, #tpu.memory_space<vmem>>) offsets(%dma_start3A_183 : memref<128xi32, #tpu.memory_space<vmem>>) semaphore(%arg8 : memref<!tpu.dma_semaphore, #tpu.memory_space<semaphore_mem>>)
      %mul3A_187 = arith.constant 5 : i32
      %mul3A_188 = arith.muli %mul3A_124, %mul3A_187 : i32
      %add3A_189 = arith.constant 4 : i32
      %add3A_190 = arith.addi %mul3A_188, %add3A_189 : i32
      %dma_start3A_191 = arith.constant 512 : i32
      %dma_start3A_192 = arith.constant 0 : i32
      %dma_start3A_193 = tpu.memref_slice %arg6[%dma_start3A_191, %dma_start3A_192] : memref<640x64xf32, #tpu.memory_space<vmem>> -> memref<128x64xf32, #tpu.memory_space<vmem>>
      %dma_start3A_194 = arith.constant 0 : i32
      %dma_start3A_195 = tpu.memref_slice %arg5[%add3A_190, %dma_start3A_194] : memref<50x128xi32, #tpu.memory_space<vmem>> -> memref<1x128xi32, #tpu.memory_space<vmem>>
      %dma_start3A_196 = tpu.memref_squeeze %dma_start3A_195 : memref<1x128xi32, #tpu.memory_space<vmem>> -> memref<128xi32, #tpu.memory_space<vmem>>
      %dma_start3A_197 = arith.constant 0 : i32
      %dma_start3A_198 = arith.constant 0 : i32
      %dma_start3A_199 = tpu.memref_slice %arg2[%dma_start3A_197, %dma_start3A_198] : memref<100000x64xf32, #tpu.memory_space<hbm>> -> memref<100000x64xf32, #tpu.memory_space<hbm>>
      tpu.enqueue_indirect_dma source(%dma_start3A_199 : memref<100000x64xf32, #tpu.memory_space<hbm>>) target(%dma_start3A_193 : memref<128x64xf32, #tpu.memory_space<vmem>>) offsets(%dma_start3A_196 : memref<128xi32, #tpu.memory_space<vmem>>) semaphore(%arg8 : memref<!tpu.dma_semaphore, #tpu.memory_space<semaphore_mem>>)
      %sub3A_200 = arith.constant 1 : i32
      %sub3A_201 = arith.subi %mul3A_124, %sub3A_200 : i32
      %dma_wait3A_202 = arith.constant 0 : i32
      %dma_wait3A_203 = arith.constant 0 : i32
      %dma_wait3A_204 = tpu.memref_slice %arg4[%dma_wait3A_202, %dma_wait3A_203] : memref<204800x64xf32, #tpu.memory_space<hbm>> -> memref<640x64xf32, #tpu.memory_space<hbm>>
      %dma_wait3A_205 = arith.constant 0 : i32
      %dma_wait3A_206 = arith.constant 0 : i32
      %dma_wait3A_207 = tpu.memref_slice %arg4[%dma_wait3A_205, %dma_wait3A_206] : memref<204800x64xf32, #tpu.memory_space<hbm>> -> memref<640x64xf32, #tpu.memory_space<hbm>>
      tpu.wait_dma2 semaphore(%arg9 : memref<!tpu.dma_semaphore, #tpu.memory_space<semaphore_mem>>) src(%dma_wait3A_207 : memref<640x64xf32, #tpu.memory_space<hbm>>) dst(%arg7 : memref<640x64xf32, #tpu.memory_space<vmem>>)
      %mul3A_208 = arith.constant 640 : i32
      %mul3A_209 = arith.muli %sub3A_201, %mul3A_208 : i32
      %add3A_210 = arith.addi %mul3A_2, %mul3A_209 : i32
      "tpu.region"() ({
        %run_scoped3A = tpu.sem_alloc : memref<!tpu.dma_semaphore, #tpu.memory_space<semaphore_mem>>
        %dma_start3A_278 = arith.constant 0 : i32
        %dma_start3A_279 = tpu.memref_slice %arg4[%add3A_210, %dma_start3A_278] : memref<204800x64xf32, #tpu.memory_space<hbm>> -> memref<640x64xf32, #tpu.memory_space<hbm>>
        %dma_start3A_280 = arith.constant 0 : i32
        %dma_start3A_281 = tpu.memref_slice %arg4[%add3A_210, %dma_start3A_280] : memref<204800x64xf32, #tpu.memory_space<hbm>> -> memref<640x64xf32, #tpu.memory_space<hbm>>
        tpu.enqueue_dma source(%arg7 : memref<640x64xf32, #tpu.memory_space<vmem>>) target(%dma_start3A_281 : memref<640x64xf32, #tpu.memory_space<hbm>>) target_semaphore(%run_scoped3A : memref<!tpu.dma_semaphore, #tpu.memory_space<semaphore_mem>>)
        %dma_wait3A_282 = arith.constant 0 : i32
        %dma_wait3A_283 = tpu.memref_slice %arg4[%add3A_210, %dma_wait3A_282] : memref<204800x64xf32, #tpu.memory_space<hbm>> -> memref<640x64xf32, #tpu.memory_space<hbm>>
        %dma_wait3A_284 = arith.constant 0 : i32
        %dma_wait3A_285 = tpu.memref_slice %arg4[%add3A_210, %dma_wait3A_284] : memref<204800x64xf32, #tpu.memory_space<hbm>> -> memref<640x64xf32, #tpu.memory_space<hbm>>
        tpu.wait_dma2 semaphore(%run_scoped3A : memref<!tpu.dma_semaphore, #tpu.memory_space<semaphore_mem>>) src(%arg7 : memref<640x64xf32, #tpu.memory_space<vmem>>) dst(%dma_wait3A_285 : memref<640x64xf32, #tpu.memory_space<hbm>>)
        tpu.yield
      }) : () -> ()
      %add3A_211 = arith.constant 1 : i32
      %add3A_212 = arith.addi %mul3A_124, %add3A_211 : i32
      %mul3A_213 = arith.constant 5 : i32
      %mul3A_214 = arith.muli %add3A_212, %mul3A_213 : i32
      %add3A_215 = arith.constant 0 : i32
      %add3A_216 = arith.addi %mul3A_214, %add3A_215 : i32
      %dma_start3A_217 = arith.constant 0 : i32
      %dma_start3A_218 = arith.constant 0 : i32
      %dma_start3A_219 = tpu.memref_slice %arg7[%dma_start3A_217, %dma_start3A_218] : memref<640x64xf32, #tpu.memory_space<vmem>> -> memref<128x64xf32, #tpu.memory_space<vmem>>
      %dma_start3A_220 = arith.constant 0 : i32
      %dma_start3A_221 = tpu.memref_slice %arg5[%add3A_216, %dma_start3A_220] : memref<50x128xi32, #tpu.memory_space<vmem>> -> memref<1x128xi32, #tpu.memory_space<vmem>>
      %dma_start3A_222 = tpu.memref_squeeze %dma_start3A_221 : memref<1x128xi32, #tpu.memory_space<vmem>> -> memref<128xi32, #tpu.memory_space<vmem>>
      %dma_start3A_223 = arith.constant 0 : i32
      %dma_start3A_224 = arith.constant 0 : i32
      %dma_start3A_225 = tpu.memref_slice %arg2[%dma_start3A_223, %dma_start3A_224] : memref<100000x64xf32, #tpu.memory_space<hbm>> -> memref<100000x64xf32, #tpu.memory_space<hbm>>
      tpu.enqueue_indirect_dma source(%dma_start3A_225 : memref<100000x64xf32, #tpu.memory_space<hbm>>) target(%dma_start3A_219 : memref<128x64xf32, #tpu.memory_space<vmem>>) offsets(%dma_start3A_222 : memref<128xi32, #tpu.memory_space<vmem>>) semaphore(%arg9 : memref<!tpu.dma_semaphore, #tpu.memory_space<semaphore_mem>>)
      %mul3A_226 = arith.constant 5 : i32
      %mul3A_227 = arith.muli %add3A_212, %mul3A_226 : i32
      %add3A_228 = arith.constant 1 : i32
      %add3A_229 = arith.addi %mul3A_227, %add3A_228 : i32
      %dma_start3A_230 = arith.constant 128 : i32
      %dma_start3A_231 = arith.constant 0 : i32
      %dma_start3A_232 = tpu.memref_slice %arg7[%dma_start3A_230, %dma_start3A_231] : memref<640x64xf32, #tpu.memory_space<vmem>> -> memref<128x64xf32, #tpu.memory_space<vmem>>
      %dma_start3A_233 = arith.constant 0 : i32
      %dma_start3A_234 = tpu.memref_slice %arg5[%add3A_229, %dma_start3A_233] : memref<50x128xi32, #tpu.memory_space<vmem>> -> memref<1x128xi32, #tpu.memory_space<vmem>>
      %dma_start3A_235 = tpu.memref_squeeze %dma_start3A_234 : memref<1x128xi32, #tpu.memory_space<vmem>> -> memref<128xi32, #tpu.memory_space<vmem>>
      %dma_start3A_236 = arith.constant 0 : i32
      %dma_start3A_237 = arith.constant 0 : i32
      %dma_start3A_238 = tpu.memref_slice %arg2[%dma_start3A_236, %dma_start3A_237] : memref<100000x64xf32, #tpu.memory_space<hbm>> -> memref<100000x64xf32, #tpu.memory_space<hbm>>
      tpu.enqueue_indirect_dma source(%dma_start3A_238 : memref<100000x64xf32, #tpu.memory_space<hbm>>) target(%dma_start3A_232 : memref<128x64xf32, #tpu.memory_space<vmem>>) offsets(%dma_start3A_235 : memref<128xi32, #tpu.memory_space<vmem>>) semaphore(%arg9 : memref<!tpu.dma_semaphore, #tpu.memory_space<semaphore_mem>>)
      %mul3A_239 = arith.constant 5 : i32
      %mul3A_240 = arith.muli %add3A_212, %mul3A_239 : i32
      %add3A_241 = arith.constant 2 : i32
      %add3A_242 = arith.addi %mul3A_240, %add3A_241 : i32
      %dma_start3A_243 = arith.constant 256 : i32
      %dma_start3A_244 = arith.constant 0 : i32
      %dma_start3A_245 = tpu.memref_slice %arg7[%dma_start3A_243, %dma_start3A_244] : memref<640x64xf32, #tpu.memory_space<vmem>> -> memref<128x64xf32, #tpu.memory_space<vmem>>
      %dma_start3A_246 = arith.constant 0 : i32
      %dma_start3A_247 = tpu.memref_slice %arg5[%add3A_242, %dma_start3A_246] : memref<50x128xi32, #tpu.memory_space<vmem>> -> memref<1x128xi32, #tpu.memory_space<vmem>>
      %dma_start3A_248 = tpu.memref_squeeze %dma_start3A_247 : memref<1x128xi32, #tpu.memory_space<vmem>> -> memref<128xi32, #tpu.memory_space<vmem>>
      %dma_start3A_249 = arith.constant 0 : i32
      %dma_start3A_250 = arith.constant 0 : i32
      %dma_start3A_251 = tpu.memref_slice %arg2[%dma_start3A_249, %dma_start3A_250] : memref<100000x64xf32, #tpu.memory_space<hbm>> -> memref<100000x64xf32, #tpu.memory_space<hbm>>
      tpu.enqueue_indirect_dma source(%dma_start3A_251 : memref<100000x64xf32, #tpu.memory_space<hbm>>) target(%dma_start3A_245 : memref<128x64xf32, #tpu.memory_space<vmem>>) offsets(%dma_start3A_248 : memref<128xi32, #tpu.memory_space<vmem>>) semaphore(%arg9 : memref<!tpu.dma_semaphore, #tpu.memory_space<semaphore_mem>>)
      %mul3A_252 = arith.constant 5 : i32
      %mul3A_253 = arith.muli %add3A_212, %mul3A_252 : i32
      %add3A_254 = arith.constant 3 : i32
      %add3A_255 = arith.addi %mul3A_253, %add3A_254 : i32
      %dma_start3A_256 = arith.constant 384 : i32
      %dma_start3A_257 = arith.constant 0 : i32
      %dma_start3A_258 = tpu.memref_slice %arg7[%dma_start3A_256, %dma_start3A_257] : memref<640x64xf32, #tpu.memory_space<vmem>> -> memref<128x64xf32, #tpu.memory_space<vmem>>
      %dma_start3A_259 = arith.constant 0 : i32
      %dma_start3A_260 = tpu.memref_slice %arg5[%add3A_255, %dma_start3A_259] : memref<50x128xi32, #tpu.memory_space<vmem>> -> memref<1x128xi32, #tpu.memory_space<vmem>>
      %dma_start3A_261 = tpu.memref_squeeze %dma_start3A_260 : memref<1x128xi32, #tpu.memory_space<vmem>> -> memref<128xi32, #tpu.memory_space<vmem>>
      %dma_start3A_262 = arith.constant 0 : i32
      %dma_start3A_263 = arith.constant 0 : i32
      %dma_start3A_264 = tpu.memref_slice %arg2[%dma_start3A_262, %dma_start3A_263] : memref<100000x64xf32, #tpu.memory_space<hbm>> -> memref<100000x64xf32, #tpu.memory_space<hbm>>
      tpu.enqueue_indirect_dma source(%dma_start3A_264 : memref<100000x64xf32, #tpu.memory_space<hbm>>) target(%dma_start3A_258 : memref<128x64xf32, #tpu.memory_space<vmem>>) offsets(%dma_start3A_261 : memref<128xi32, #tpu.memory_space<vmem>>) semaphore(%arg9 : memref<!tpu.dma_semaphore, #tpu.memory_space<semaphore_mem>>)
      %mul3A_265 = arith.constant 5 : i32
      %mul3A_266 = arith.muli %add3A_212, %mul3A_265 : i32
      %add3A_267 = arith.constant 4 : i32
      %add3A_268 = arith.addi %mul3A_266, %add3A_267 : i32
      %dma_start3A_269 = arith.constant 512 : i32
      %dma_start3A_270 = arith.constant 0 : i32
      %dma_start3A_271 = tpu.memref_slice %arg7[%dma_start3A_269, %dma_start3A_270] : memref<640x64xf32, #tpu.memory_space<vmem>> -> memref<128x64xf32, #tpu.memory_space<vmem>>
      %dma_start3A_272 = arith.constant 0 : i32
      %dma_start3A_273 = tpu.memref_slice %arg5[%add3A_268, %dma_start3A_272] : memref<50x128xi32, #tpu.memory_space<vmem>> -> memref<1x128xi32, #tpu.memory_space<vmem>>
      %dma_start3A_274 = tpu.memref_squeeze %dma_start3A_273 : memref<1x128xi32, #tpu.memory_space<vmem>> -> memref<128xi32, #tpu.memory_space<vmem>>
      %dma_start3A_275 = arith.constant 0 : i32
      %dma_start3A_276 = arith.constant 0 : i32
      %dma_start3A_277 = tpu.memref_slice %arg2[%dma_start3A_275, %dma_start3A_276] : memref<100000x64xf32, #tpu.memory_space<hbm>> -> memref<100000x64xf32, #tpu.memory_space<hbm>>
      tpu.enqueue_indirect_dma source(%dma_start3A_277 : memref<100000x64xf32, #tpu.memory_space<hbm>>) target(%dma_start3A_271 : memref<128x64xf32, #tpu.memory_space<vmem>>) offsets(%dma_start3A_274 : memref<128xi32, #tpu.memory_space<vmem>>) semaphore(%arg9 : memref<!tpu.dma_semaphore, #tpu.memory_space<semaphore_mem>>)
    }
    %scan3A_106 = arith.constant 4 : i32
    %dma_wait3A = arith.constant 0 : i32
    %dma_wait3A_107 = arith.constant 0 : i32
    %dma_wait3A_108 = tpu.memref_slice %arg4[%dma_wait3A, %dma_wait3A_107] : memref<204800x64xf32, #tpu.memory_space<hbm>> -> memref<640x64xf32, #tpu.memory_space<hbm>>
    %dma_wait3A_109 = arith.constant 0 : i32
    %dma_wait3A_110 = arith.constant 0 : i32
    %dma_wait3A_111 = tpu.memref_slice %arg4[%dma_wait3A_109, %dma_wait3A_110] : memref<204800x64xf32, #tpu.memory_space<hbm>> -> memref<640x64xf32, #tpu.memory_space<hbm>>
    tpu.wait_dma2 semaphore(%arg8 : memref<!tpu.dma_semaphore, #tpu.memory_space<semaphore_mem>>) src(%dma_wait3A_111 : memref<640x64xf32, #tpu.memory_space<hbm>>) dst(%arg6 : memref<640x64xf32, #tpu.memory_space<vmem>>)
    %add3A_112 = arith.constant 5120 : i32
    %add3A_113 = arith.addi %mul3A_2, %add3A_112 : i32
    "tpu.region"() ({
      %run_scoped3A = tpu.sem_alloc : memref<!tpu.dma_semaphore, #tpu.memory_space<semaphore_mem>>
      %dma_start3A_122 = arith.constant 0 : i32
      %dma_start3A_123 = tpu.memref_slice %arg4[%add3A_113, %dma_start3A_122] : memref<204800x64xf32, #tpu.memory_space<hbm>> -> memref<640x64xf32, #tpu.memory_space<hbm>>
      %dma_start3A_124 = arith.constant 0 : i32
      %dma_start3A_125 = tpu.memref_slice %arg4[%add3A_113, %dma_start3A_124] : memref<204800x64xf32, #tpu.memory_space<hbm>> -> memref<640x64xf32, #tpu.memory_space<hbm>>
      tpu.enqueue_dma source(%arg6 : memref<640x64xf32, #tpu.memory_space<vmem>>) target(%dma_start3A_125 : memref<640x64xf32, #tpu.memory_space<hbm>>) target_semaphore(%run_scoped3A : memref<!tpu.dma_semaphore, #tpu.memory_space<semaphore_mem>>)
      %dma_wait3A_126 = arith.constant 0 : i32
      %dma_wait3A_127 = tpu.memref_slice %arg4[%add3A_113, %dma_wait3A_126] : memref<204800x64xf32, #tpu.memory_space<hbm>> -> memref<640x64xf32, #tpu.memory_space<hbm>>
      %dma_wait3A_128 = arith.constant 0 : i32
      %dma_wait3A_129 = tpu.memref_slice %arg4[%add3A_113, %dma_wait3A_128] : memref<204800x64xf32, #tpu.memory_space<hbm>> -> memref<640x64xf32, #tpu.memory_space<hbm>>
      tpu.wait_dma2 semaphore(%run_scoped3A : memref<!tpu.dma_semaphore, #tpu.memory_space<semaphore_mem>>) src(%arg6 : memref<640x64xf32, #tpu.memory_space<vmem>>) dst(%dma_wait3A_129 : memref<640x64xf32, #tpu.memory_space<hbm>>)
      tpu.yield
    }) : () -> ()
    %dma_wait3A_114 = arith.constant 0 : i32
    %dma_wait3A_115 = arith.constant 0 : i32
    %dma_wait3A_116 = tpu.memref_slice %arg4[%dma_wait3A_114, %dma_wait3A_115] : memref<204800x64xf32, #tpu.memory_space<hbm>> -> memref<640x64xf32, #tpu.memory_space<hbm>>
    %dma_wait3A_117 = arith.constant 0 : i32
    %dma_wait3A_118 = arith.constant 0 : i32
    %dma_wait3A_119 = tpu.memref_slice %arg4[%dma_wait3A_117, %dma_wait3A_118] : memref<204800x64xf32, #tpu.memory_space<hbm>> -> memref<640x64xf32, #tpu.memory_space<hbm>>
    tpu.wait_dma2 semaphore(%arg9 : memref<!tpu.dma_semaphore, #tpu.memory_space<semaphore_mem>>) src(%dma_wait3A_119 : memref<640x64xf32, #tpu.memory_space<hbm>>) dst(%arg7 : memref<640x64xf32, #tpu.memory_space<vmem>>)
    %add3A_120 = arith.constant 5760 : i32
    %add3A_121 = arith.addi %mul3A_2, %add3A_120 : i32
    "tpu.region"() ({
      %run_scoped3A = tpu.sem_alloc : memref<!tpu.dma_semaphore, #tpu.memory_space<semaphore_mem>>
      %dma_start3A_122 = arith.constant 0 : i32
      %dma_start3A_123 = tpu.memref_slice %arg4[%add3A_121, %dma_start3A_122] : memref<204800x64xf32, #tpu.memory_space<hbm>> -> memref<640x64xf32, #tpu.memory_space<hbm>>
      %dma_start3A_124 = arith.constant 0 : i32
      %dma_start3A_125 = tpu.memref_slice %arg4[%add3A_121, %dma_start3A_124] : memref<204800x64xf32, #tpu.memory_space<hbm>> -> memref<640x64xf32, #tpu.memory_space<hbm>>
      tpu.enqueue_dma source(%arg7 : memref<640x64xf32, #tpu.memory_space<vmem>>) target(%dma_start3A_125 : memref<640x64xf32, #tpu.memory_space<hbm>>) target_semaphore(%run_scoped3A : memref<!tpu.dma_semaphore, #tpu.memory_space<semaphore_mem>>)
      %dma_wait3A_126 = arith.constant 0 : i32
      %dma_wait3A_127 = tpu.memref_slice %arg4[%add3A_121, %dma_wait3A_126] : memref<204800x64xf32, #tpu.memory_space<hbm>> -> memref<640x64xf32, #tpu.memory_space<hbm>>
      %dma_wait3A_128 = arith.constant 0 : i32
      %dma_wait3A_129 = tpu.memref_slice %arg4[%add3A_121, %dma_wait3A_128] : memref<204800x64xf32, #tpu.memory_space<hbm>> -> memref<640x64xf32, #tpu.memory_space<hbm>>
      tpu.wait_dma2 semaphore(%run_scoped3A : memref<!tpu.dma_semaphore, #tpu.memory_space<semaphore_mem>>) src(%arg7 : memref<640x64xf32, #tpu.memory_space<vmem>>) dst(%dma_wait3A_129 : memref<640x64xf32, #tpu.memory_space<hbm>>)
      tpu.yield
    }) : () -> ()
    return
  }
}

</mosaic_0001>

<sc_bundles>
// kernel: kernel.3.cloned.1.call-start
scs
__scs_entry_jumppad:
0x0: {  	(pc) =	sbr.rel $0x88, $3  }
0x1: {  	(tag) =	ssettag $0x0;
	lr =	simm.s32 $0x1  }
0x2: {  	[smem:$0x3F9F] =	sst lr;
	_ =	strace $0xD0000000  }
0x3: {  	_ = 	snop  }
0x4: {  	_ = 	snop  }
0x5: {  	_ = 	snop  }
0x6: {  	_ = 	snop  }
0x7: {  	_ = 	snop  }
__scs_overlays_trampoline_lowered:
0x8: {  	[smem:$0x3FAE] =	sst s0  }
0x9: {  	[smem:$0x3FAF] =	sst s1  }
0xa: {  	[smem:$0x3FB0] =	sst s2  }
0xb: {  	[smem:$0x3FB1] =	sst s3  }
0xc: {  	[smem:$0x3FB2] =	sst s4  }
0xd: {  	[smem:$0x3FB3] =	sst s5  }
0xe: {  	[smem:$0x3FB4] =	sst s6  }
0xf: {  	[smem:$0x3FB5] =	sst s7  }
0x10: {  	[smem:$0x3FB6] =	sst s8  }
0x11: {  	[smem:$0x3FB7] =	sst s9;
	s0 =	simm.s32 @!p0 $0x0  }
0x12: {  	s1 =	sld [smem:$0x3F9D];
	s0 =	simm.s32 @p0 $0x1  }
0x13: {  	[smem:$0x3FB8] =	sst s0;
	s0 =	simm.s32 @!p1 $0x0  }
0x14: {  	s2 =	sld [smem:$0x3F9C];
	s0 =	simm.s32 @p1 $0x1  }
0x15: {  	[smem:$0x3FB9] =	sst s0;
	s0 =	simm.s32 @!p2 $0x0  }
0x16: {  	s3 =	sld [smem:$0x3FDB];
	s0 =	simm.s32 @p2 $0x1  }
0x17: {  	s4 =	simm.s32 $0x1BF5;
	[smem:$0x3FBB] =	sst s0  }
0x18: {  	s0 =	sld [smem:$0x3F9E];
	_ =	swait.ge [sflag:s4], $0x0  }
0x19: {  	s7 =	sld [smem:$0x3F9F]  }
0x1a: {  	s8 =	sadd.s32 $0xFFFFE003, lr  }
0x1b: {  	s9 =	sadd.s32 $0xFFFFFEF7, lr;
	s5 =	simm.s32 $0xFFFFFFFF;
	p2 =	slt.u32 s8, $0xFFFFF086  }
0x1c: {  	p1 =	slt.u32 s9, $0xF7A;
	s5 =	simm.s32 @!p2 $0x0  }
0x1d: {  	s5 =	simm.s32 @p1 $0x1;
	p0 =	seq.s32 s7, s2  }
0x1e: {  	s7 =	smul.u32 @!p0 $0xF7A, s2;
	p2 =	seq.s32 @!p0 s5, $0x0  }
0x1f: {  	s9 =	smul.u32 $0xF7A, s1;
	s8 =	simm.s32 @!p0 $0x1BF5;
	p2 =	por !p2, p0  }
0x20: {  	[sflag:s8] =	ssyncset.s32 @!p0 $0xFFFFF086;
	s6 =	sadd.s32 @!p0 s3, s7;
	s7 =	simm.s32 @!p0 $0x108  }
0x21: {  	s3 =	sadd.s32 s3, s9;
	s6 =	sadd.s32 @!p0 $0x88, s6;
	s7 =	simm.s32 @p2 $0x1082  }
0x22: {  	[simem:s7], [sflag:s8] =	dma.local @!p0 [hbm:s6], $0xF7A  }
0x23: {  	s9 =	sor.u32 $0xD0000000, s2;
	s6 =	simm.s32 $0x108;
	_ =	swait.ge @!p0 [sflag:s8], $0x0  }
0x24: {  	s3 =	sadd.s32 $0x88, s3;
	s6 =	simm.s32 @!p1 $0x1082;
	[sflag:s4] =	ssyncset.s32 $0xFFFFF086  }
0x25: {  	[simem:s6], [sflag:s4] =	dma.local [hbm:s3], $0xF7A  }
0x26: {  	[smem:$0x3F9F] =	sst s1;
	(tag) =	ssettag s2;
	_ =	strace s9  }
0x27: {  	s1 =	sld [smem:$0x3FAF]  }
0x28: {  	s2 =	sld [smem:$0x3FB0]  }
0x29: {  	s4 =	sld [smem:$0x3FB2]  }
0x2a: {  	p0 =	seq.s32 s5, $0x0;
	s5 =	sld [smem:$0x3FB3]  }
0x2b: {  	s6 =	sld [smem:$0x3FB4]  }
0x2c: {  	s7 =	sld [smem:$0x3FB5]  }
0x2d: {  	s3 =	simm.s32 $0x108;
	s8 =	sld [smem:$0x3FB6]  }
0x2e: {  	s3 =	simm.s32 @!p0 $0x1082;
	s9 =	sld [smem:$0x3FB7]  }
0x2f: {  	lr =	sadd.s32 s0, s3;
	s0 =	sld [smem:$0x3FAE]  }
0x30: {  	s3 =	sld [smem:$0x3FB1]  }
0x31: {  	[smem:$0x3FBA] =	sst s10  }
0x32: {  	s10 =	sld [smem:$0x3FB8];
	_ =	sdelay $0x3  }
0x33: {  	p0 =	seq.s32 s10, $0x1;
	s10 =	sld [smem:$0x3FBA];
	_ =	sdelay $0x3  }
0x34: {  	[smem:$0x3FBA] =	sst s10  }
0x35: {  	s10 =	sld [smem:$0x3FB9];
	_ =	sdelay $0x3  }
0x36: {  	p1 =	seq.s32 s10, $0x1;
	s10 =	sld [smem:$0x3FBA];
	_ =	sdelay $0x3  }
0x37: {  	[smem:$0x3FBA] =	sst s10  }
0x38: {  	s10 =	sld [smem:$0x3FBB]  }
0x39: {  	_ = 	snop;
	(pc) =	sbr.ind lr, $3  }
0x3a: {  	_ = 	snop  }
0x3b: {  	_ = 	snop  }
0x3c: {  	p2 =	seq.s32 s10, $0x1;
	s10 =	sld [smem:$0x3FBA]  }
0x3d: {  	_ =	shalt  }
0x3e: {  	_ =	shalt  }
0x3f: {  	_ =	shalt  }
0x40: {  	_ =	shalt  }
0x41: {  	_ =	shalt  }
0x42: {  	_ =	shalt  }
0x43: {  	_ =	shalt  }
0x44: {  	_ =	shalt  }
0x45: {  	_ =	shalt  }
0x46: {  	_ =	shalt  }
0x47: {  	_ =	shalt  }
0x48: {  	_ =	shalt  }
0x49: {  	_ =	shalt  }
0x4a: {  	_ =	shalt  }
0x4b: {  	_ =	shalt  }
0x4c: {  	_ =	shalt  }
0x4d: {  	_ =	shalt  }
0x4e: {  	_ =	shalt  }
0x4f: {  	_ =	shalt  }
0x50: {  	_ =	shalt  }
0x51: {  	_ =	shalt  }
0x52: {  	_ =	shalt  }
0x53: {  	_ =	shalt  }
0x54: {  	_ =	shalt  }
0x55: {  	_ =	shalt  }
0x56: {  	_ =	shalt  }
0x57: {  	_ =	shalt  }
0x58: {  	_ =	shalt  }
0x59: {  	_ =	shalt  }
0x5a: {  	_ =	shalt  }
0x5b: {  	_ =	shalt  }
0x5c: {  	_ =	shalt  }
0x5d: {  	_ =	shalt  }
0x5e: {  	_ =	shalt  }
0x5f: {  	_ =	shalt  }
0x60: {  	_ =	shalt  }
0x61: {  	_ =	shalt  }
0x62: {  	_ =	shalt  }
0x63: {  	_ =	shalt  }
0x64: {  	_ =	shalt  }
0x65: {  	_ =	shalt  }
0x66: {  	_ =	shalt  }
0x67: {  	_ =	shalt  }
0x68: {  	_ =	shalt  }
0x69: {  	_ =	shalt  }
0x6a: {  	_ =	shalt  }
0x6b: {  	_ =	shalt  }
0x6c: {  	_ =	shalt  }
0x6d: {  	_ =	shalt  }
0x6e: {  	_ =	shalt  }
0x6f: {  	_ =	shalt  }
0x70: {  	_ =	shalt  }
0x71: {  	_ =	shalt  }
0x72: {  	_ =	shalt  }
0x73: {  	_ =	shalt  }
0x74: {  	_ =	shalt  }
0x75: {  	_ =	shalt  }
0x76: {  	_ =	shalt  }
0x77: {  	_ =	shalt  }
0x78: {  	_ =	shalt  }
0x79: {  	_ =	shalt  }
0x7a: {  	_ =	shalt  }
0x7b: {  	_ =	shalt  }
0x7c: {  	_ =	shalt  }
0x7d: {  	_ =	shalt  }
0x7e: {  	_ =	shalt  }
0x7f: {  	_ =	shalt  }
0x80: {  	_ =	shalt  }
0x81: {  	_ =	shalt  }
0x82: {  	_ =	shalt  }
0x83: {  	_ =	shalt  }
0x84: {  	_ =	shalt  }
0x85: {  	_ =	shalt  }
0x86: {  	_ =	shalt  }
0x87: {  	_ =	shalt  }
.Lfunc_end0:
.L_simem_size_0:
called_computation.1_lowered:
.L_overlay_start_0:
0x88: {  	s2 =	sld [smem:$0x3FD9]  }
0x89: {  	s3 =	sld [smem:$0x3FFE];
	_ =	sdelay $0x1  }
0x8a: {  	s1 =	srdreg.scid  }
0x8b: {  	s0 =	sand.u32 $0x1, s1  }
0x8c: {  	s17 =	sshll.u32 s0, $0xA;
	s2 =	sadd.s32 s3, s2  }
0x8d: {  	s2 =	sadd.s32 s2, s17  }
0x8e: {  	[smem:$0x3FC6] =	sst s2  }
0x8f: {  	_ = 	snop  }
0x90: {  	s2 =	sld [smem:$0x3FD0];
	(tm) =	ssettm $0x1  }
0x91: {  	s18 =	sld [smem:$0x3FFB];
	_ =	sdelay $0x3  }
0x92: {  	_ =	strace s18  }
0x93: {  	s3 =	sld [smem:$0x3FFC];
	_ =	sdelay $0x3  }
0x94: {  	_ =	strace s3  }
0x95: {  	s3 =	sld [smem:$0x3FFD];
	_ =	sdelay $0x3  }
0x96: {  	_ =	strace s3  }
0x97: {  	_ =	strace $0x8FFFFFFF  }
0x98: {  	s19 =	sld [smem:$0x3FDB];
	_ =	sdelay $0x1  }
0x99: {  	s4 =	simm.s32 $_scs_section_size  }
0x9a: {  	s5 =	simm.s32 $_size__tile_overlayer_lowered;
	s6 =	simm.s32 $_tile_overlayer_lowered  }
0x9b: {  	s22 =	simm.s32 $0x1BFF;
	s21 =	sshll.u32 s6, $0x1;
	s3 =	sadd.s32 s4, s19  }
0x9c: {  	s7 =	simm.s32 $0x0;
	s20 =	sshll.u32 s5, $0x1;
	s5 =	sadd.s32 s21, s3  }
0x9d: {  	[timem:s7], [sflag:s22] =	dma.local [hbm:s5], s20  }
0x9e: {  	_ =	swait.ge [sflag:s22], s20  }
0x9f: {  	s4 =	ssub.s32 $0x0, s20;
	[sflag:s22] =	ssyncset.done $0x0  }
0xa0: {  	[sflag:s22] =	ssyncadd.s32 s4;
	_ =	sdelay $0x1  }
0xa1: {  	s23 =	simm.s32 $0x1B8B  }
0xa2: {  	_ =	swait.ge [sflag:s23], $0x1  }
0xa3: {  	[sflag:s23] =	ssyncset.done $0x0  }
0xa4: {  	s25 =	simm.s32 $0x1B8E;
	s24 =	sld [smem:$0x3FFE];
	[sflag:s23] =	ssyncadd.s32 $0xFFFFFFFF  }
0xa5: {  	s26 =	simm.s32 $execute0_lowered;
	[smem:$0x3FD2] =	sst s25  }
0xa6: {  	s5 =	sshll.u32 s26, $0x1;
	_ =	strace $0x80000046;
	[dreg:$0x1] =	wrdreg $0xFFFFFFFF  }
0xa7: {  	s28 =	simm.s32 $_size_execute0_lowered;
	s3 =	sadd.s32 s3, s5;
	[dreg:$0x0] =	wrdreg $0x0  }
0xa8: {  	s5 =	sshll.u32 s28, $0x1;
	[dreg:$0x2] =	wrdreg s3  }
0xa9: {  	[dreg:$0x3] =	wrdreg s5  }
0xaa: {  	[dreg:$0x4] =	wrdreg $0xC0  }
0xab: {  	_ =	task [dreg:s7], $0x5FFFF  }
0xac: {  	[dreg:$0x1] =	wrdreg $0xFFFFFFFF  }
0xad: {  	[dreg:$0x0] =	wrdreg $0x60  }
0xae: {  	[dreg:$0x2] =	wrdreg s24  }
0xaf: {  	[dreg:$0x3] =	wrdreg s2  }
0xb0: {  	[dreg:$0x4] =	wrdreg $0x9  }
0xb1: {  	_ =	task.clear_ibuf [dreg:s7], $0x5FFFF;
	_ =	strace $0x90000046  }
0xb2: {  	s29 =	simm.s32 $0x9;
	_ =	strace $0x80000048  }
0xb3: {  	_ =	swait.ge [sflag:s29], $0x1  }
0xb4: {  	[sflag:s29] =	ssyncadd.s32 $0xFFFFFFFF  }
0xb5: {  	_ =	strace $0x90000048  }
0xb6: {  	_ =	sfence  }
0xb7: {  	s30 =	sld [smem:$0x0];
	_ =	sdelay $0x2  }
0xb8: {  	s31 =	sshll.u32 s1, $0xD;
	s1 =	sshrl.u32 s1, $0x2  }
0xb9: {  	s3 =	sand.u32 $0x4000, s31;
	s1 =	sadd.s32 s1, s30  }
0xba: {  	s0 =	sor.u32 s3, s0;
	s1 =	sshll.u32 s1, $0x11  }
0xbb: {  	s0 =	sor.u32 s1, s0  }
0xbc: {  	s0 =	sadd.s32 $0x8F2B, s0  }
0xbd: {  	[sflag:s0] =	ssyncadd.remote.s32 $0x1  }
0xbe: {  	_ =	sfence.sel $0xFFFF  }
0xbf: {  	[dreg:$0x0] =	wrdreg $0xFFFFFFFF;
	(pc) =	sbr.abs _section_cstart, $3  }
0xc0: {  	[dreg:$0x1] =	wrdreg $0xFFFFFFFF  }
0xc1: {  	_ =	task.clear_ibuf [dreg:s7], $0x2FFFF;
	_ =	strace $0x9FFFFFFF  }
0xc2: {  	(tm) =	ssettm $0x7FFFFFFF  }
0xc3: {  	_ =	shalt  }
tec
execute0_lowered:
.L_overlay_start_1:
0x0: {  	(tag) =	ssettag $0x1  }
0x1: {  	s3 =	rddreg [dreg:$0x0]  }
0x2: {  	s4 =	rddreg [dreg:$0x1];
	s2 =	simm.s32 $0x0  }
0x3: {  	s11 =	simm.s32 $0x100;
	[smem:$0x7FF] =	sst s2  }
0x4: {  	s12 =	simm.s32 $0x180;
	_ =	strace $0x80000047;
	[dreg:$0xd] =	wrdreg s11  }
0x5: {  	s13 =	simm.s32 $0x200;
	[dreg:$0xe] =	wrdreg s12  }
0x6: {  	s14 =	simm.s32 $0x280;
	[dreg:$0xf] =	wrdreg s13  }
0x7: {  	s15 =	simm.s32 $0x300;
	[dreg:$0x10] =	wrdreg s14  }
0x8: {  	s16 =	simm.s32 $0x380;
	[dreg:$0x11] =	wrdreg s15  }
0x9: {  	s17 =	simm.s32 $0x400;
	[dreg:$0x12] =	wrdreg s16  }
0xa: {  	s19 =	simm.s32 $0x480;
	[dreg:$0x13] =	wrdreg s17  }
0xb: {  	s0 =	srdreg.scid;
	s20 =	simm.s32 $0x500;
	[dreg:$0x14] =	wrdreg s19  }
0xc: {  	s18 =	stileid.u32;
	s21 =	simm.s32 $0x580;
	[dreg:$0x15] =	wrdreg s20  }
0xd: {  	s22 =	simm.s32 $0x600;
	s23 =	simm.s32 $0x680;
	[dreg:$0x16] =	wrdreg s21  }
0xe: {  	s1 =	sand.u32 $0x1, s0;
	s24 =	sshll.u32 s18, $0x1;
	[dreg:$0x17] =	wrdreg s22  }
0xf: {  	s0 =	sor.u32 s1, s24;
	[dreg:$0x18] =	wrdreg s23;
	s24 =	simm.s32 $0x700  }
0x10: {  	s11 =	simm.s32 $0xB80;
	[dreg:$0x19] =	wrdreg s24  }
0x11: {  	s12 =	simm.s32 $0xC00;
	[smem:$0x7EF] =	sst s11  }
0x12: {  	s31 =	simm.s32 $0x1300;
	s13 =	simm.s32 $0xC80;
	[smem:$0x7F0] =	sst s12  }
0x13: {  	s29 =	simm.s32 $0x1580;
	s14 =	simm.s32 $0xD00;
	[smem:$0x7F1] =	sst s13  }
0x14: {  	p0 =	por $0x0, $0x0;
	s15 =	simm.s32 $0xD80;
	[smem:$0x7F2] =	sst s14  }
0x15: {  	s30 =	simm.s32 $0x1600;
	s16 =	simm.s32 $0xE00;
	[smem:$0x7F3] =	sst s15  }
0x16: {  	s1 =	ssub.s32 $0x2, s1;
	s17 =	simm.s32 $0xE80;
	[smem:$0x7F4] =	sst s16  }
0x17: {  	s19 =	simm.s32 $0xF00;
	s20 =	simm.s32 $0xF80;
	[smem:$0x7F5] =	sst s17  }
0x18: {  	s21 =	simm.s32 $0x1000;
	s5 =	smul.u32 $0x320, s0;
	[smem:$0x7F6] =	sst s19  }
0x19: {  	s22 =	simm.s32 $0x1080;
	s6 =	smul.u32 $0x64000, s0;
	[smem:$0x7F7] =	sst s20  }
0x1a: {  	s23 =	simm.s32 $0x1100;
	s0 =	smul.u32 $0xC800, s0;
	[smem:$0x7F8] =	sst s21  }
0x1b: {  	s12 =	simm.s32 $0x7900;
	s14 =	simm.s32 $0x9900;
	[smem:$0x7F9] =	sst s22  }
0x1c: {  	s13 =	simm.s32 $0xF900;
	s15 =	simm.s32 $0x11900;
	[smem:$0x7FA] =	sst s23  }
0x1d: {  	s24 =	simm.s32 $0x1180;
	s17 =	simm.s32 $0x13900;
	s5 =	sadd.s32 s5, s3  }
0x1e: {  	[smem:$0x7FB] =	sst s24;
	s28 =	sadd.s32 s4, s0;
	s5 =	sadd.s32 $0x800, s5  }
0x1f: {  	s16 =	simm.s32 $0x1;
	s0 =	sadd.s32 $0x1400, s28;
	[dreg:$0x3] =	wrdreg s5  }
0x20: {  	s11 =	simm.s32 $0x2;
	s7 =	sadd.s32 $0x5000, s28;
	[dreg:$0x6] =	wrdreg s0  }
0x21: {  	s19 =	simm.s32 $0x1680;
	s8 =	sadd.s32 $0x6400, s28;
	[dreg:$0x9] =	wrdreg s7  }
0x22: {  	s20 =	simm.s32 $0x1700;
	s9 =	sadd.s32 $0x7800, s28;
	[dreg:$0xa] =	wrdreg s8  }
0x23: {  	s6 =	sshrl.u32 s6, $0x3;
	s10 =	sadd.s32 $0x8C00, s28;
	[dreg:$0xb] =	wrdreg s9  }
0x24: {  	s6 =	sadd.s32 s4, s6;
	s4 =	simm.s32 $0x880;
	[dreg:$0xc] =	wrdreg s10  }
0x25: {  	s21 =	simm.s32 $0x1780;
	s25 =	sadd.s32 $0xA000, s6;
	[dreg:$0x1c] =	wrdreg s4  }
0x26: {  	s22 =	simm.s32 $0x1800;
	s26 =	sadd.s32 $0xB400, s6;
	[dreg:$0x4] =	wrdreg s25  }
0x27: {  	s23 =	simm.s32 $0x1880;
	s5 =	sadd.s32 $0x2800, s28;
	[dreg:$0x5] =	wrdreg s26  }
0x28: {  	s24 =	simm.s32 $0x1380;
	s6 =	sadd.s32 $0x3C00, s28;
	[dreg:$0x7] =	wrdreg s5  }
0x29: {  	s4 =	sadd.s32 $0x6C00, s3;
	s7 =	simm.s32 $0xA00;
	[dreg:$0x8] =	wrdreg s6  }
0x2a: {  	s8 =	simm.s32 $0xA80;
	s9 =	sshrl.u32 s1, $0x1;
	[dreg:$0x1f] =	wrdreg s7  }
0x2b: {  	s10 =	simm.s32 $0xB00;
	s3 =	simm.s32 $0x3;
	[smem:$0x7ED] =	sst s8  }
0x2c: {  	s25 =	simm.s32 $0x780;
	s26 =	simm.s32 $0x800;
	[smem:$0x7EE] =	sst s10  }
0x2d: {  	s5 =	simm.s32 $0x900;
	s1 =	ssub.s32 s1, s9;
	s0 =	rddreg [dreg:$0x3]  }
0x2e: {  	s6 =	simm.s32 $0x980;
	[dreg:$0x1a] =	wrdreg s25;
	s1 =	smax.u32 s1, $0x1  }
0x2f: {  	s8 =	simm.s32 $0x3900;
	[dreg:$0x1b] =	wrdreg s26;
	p1 =	sne.s32 s1, $0x1  }
.Ltmp0:
0x30: {  	s9 =	simm.s32 $0x5900;
	[dreg:$0x1d] =	wrdreg s5;
	(pc) =	sbr.rel @!p1 .LBB2_1-.Ltmp0, $4  }
0x31: {  	s7 =	simm.s32 $0xB900;
	[dreg:$0x1e] =	wrdreg s6;
	s25 =	simm.s32 $0x1200  }
0x32: {  	s10 =	simm.s32 $0xD900;
	s26 =	simm.s32 $0x1280;
	[smem:$0x7FC] =	sst s25  }
0x33: {  	s6 =	simm.s32 $0x80;
	s5 =	simm.s32 $0x1900;
	[smem:$0x7FD] =	sst s26  }
0x34: {  	s25 =	simm.s32 $0x1480;
	s26 =	simm.s32 $0x1500;
	s1 =	sadd.s32 $0xFFFFFFFF, s1  }
0x35: {  	[tilespmem:s2], [sflag:$0x3] =	stream.linear.gather [hbm4b:s0+s2], $0x1900, $0x38;
	[tilespmem:$0x15900] =	vst v63  }
0x36: {  	_ =	swait.ge [sflag:s3], $0x1900  }
0x37: {  	[sflag:s3] =	ssyncset.done $0x0  }
0x38: {  	[sflag:s3] =	ssyncadd.s32 $0xFFFFE700  }
0x39: {  	[tilespmem:s5], [sflag:$0x1] =	stream.indirect.gather [hbm4b:s4+s6], $0x40, s2, s6, $0xb8;
	[tilespmem:$0x15900] =	vst v63  }
0x3a: {  	_ = 	snop  }
0x3b: {  	[tilespmem:s8], [sflag:$0x1] =	stream.indirect.gather [hbm4b:s4+s6], $0x40, s6, s6, $0xb8;
	[tilespmem:$0x15900] =	vst v63  }
0x3c: {  	s0 =	rddreg [dreg:$0xd]  }
0x3d: {  	[tilespmem:s9], [sflag:$0x1] =	stream.indirect.gather [hbm4b:s4+s6], $0x40, s0, s6, $0xb8;
	[tilespmem:$0x15900] =	vst v63  }
0x3e: {  	s18 =	smov.u32 s1;
	s1 =	rddreg [dreg:$0xe]  }
0x3f: {  	[tilespmem:s12], [sflag:$0x1] =	stream.indirect.gather [hbm4b:s4+s6], $0x40, s1, s6, $0xb8;
	[tilespmem:$0x15900] =	vst v63  }
0x40: {  	s0 =	rddreg [dreg:$0xf]  }
0x41: {  	[tilespmem:s14], [sflag:$0x1] =	stream.indirect.gather [hbm4b:s4+s6], $0x40, s0, s6, $0xb8;
	[tilespmem:$0x15900] =	vst v63  }
0x42: {  	s1 =	rddreg [dreg:$0x10]  }
0x43: {  	[tilespmem:s7], [sflag:$0x2] =	stream.indirect.gather [hbm4b:s4+s6], $0x40, s1, s6, $0xb8;
	[tilespmem:$0x15900] =	vst v63  }
0x44: {  	s0 =	rddreg [dreg:$0x11]  }
0x45: {  	[tilespmem:s10], [sflag:$0x2] =	stream.indirect.gather [hbm4b:s4+s6], $0x40, s0, s6, $0xb8;
	[tilespmem:$0x15900] =	vst v63  }
0x46: {  	s1 =	rddreg [dreg:$0x12]  }
0x47: {  	[tilespmem:s13], [sflag:$0x2] =	stream.indirect.gather [hbm4b:s4+s6], $0x40, s1, s6, $0xb8;
	[tilespmem:$0x15900] =	vst v63  }
0x48: {  	s0 =	rddreg [dreg:$0x13]  }
0x49: {  	[tilespmem:s15], [sflag:$0x2] =	stream.indirect.gather [hbm4b:s4+s6], $0x40, s0, s6, $0xb8;
	[tilespmem:$0x15900] =	vst v63  }
0x4a: {  	s1 =	rddreg [dreg:$0x14]  }
0x4b: {  	[tilespmem:s17], [sflag:$0x2] =	stream.indirect.gather [hbm4b:s4+s6], $0x40, s1, s6, $0xb8;
	[tilespmem:$0x15900] =	vst v63  }
0x4c: {  	_ =	swait.ge [sflag:s16], $0xA000  }
0x4d: {  	[sflag:s16] =	ssyncset.done $0x0  }
0x4e: {  	[sflag:s16] =	ssyncadd.s32 $0xFFFF6000  }
0x4f: {  	[hbm4b:s28+s2] =	stream.linear.scatter [tilespmem:s5], [sflag:$0x3], $0xA000, $0x38;
	[tilespmem:$0x15900] =	vst v63  }
0x50: {  	_ =	swait.ge [sflag:s3], $0xA000  }
0x51: {  	[sflag:s3] =	ssyncset.done $0x0  }
0x52: {  	s0 =	rddreg [dreg:$0x15];
	[sflag:s3] =	ssyncadd.s32 $0xFFFF6000  }
0x53: {  	[tilespmem:s5], [sflag:$0x1] =	stream.indirect.gather [hbm4b:s4+s6], $0x40, s0, s6, $0xb8;
	[tilespmem:$0x15900] =	vst v63  }
0x54: {  	s1 =	rddreg [dreg:$0x16]  }
0x55: {  	[tilespmem:s8], [sflag:$0x1] =	stream.indirect.gather [hbm4b:s4+s6], $0x40, s1, s6, $0xb8;
	[tilespmem:$0x15900] =	vst v63  }
0x56: {  	s0 =	rddreg [dreg:$0x17]  }
0x57: {  	[tilespmem:s9], [sflag:$0x1] =	stream.indirect.gather [hbm4b:s4+s6], $0x40, s0, s6, $0xb8;
	[tilespmem:$0x15900] =	vst v63  }
0x58: {  	s1 =	rddreg [dreg:$0x18]  }
0x59: {  	[tilespmem:s12], [sflag:$0x1] =	stream.indirect.gather [hbm4b:s4+s6], $0x40, s1, s6, $0xb8;
	[tilespmem:$0x15900] =	vst v63  }
0x5a: {  	s0 =	rddreg [dreg:$0x19]  }
0x5b: {  	[tilespmem:s14], [sflag:$0x1] =	stream.indirect.gather [hbm4b:s4+s6], $0x40, s0, s6, $0xb8;
	[tilespmem:$0x15900] =	vst v63  }
0x5c: {  	_ =	swait.ge [sflag:s11], $0xA000  }
0x5d: {  	[sflag:s11] =	ssyncset.done $0x0  }
0x5e: {  	s1 =	rddreg [dreg:$0x6];
	[sflag:s11] =	ssyncadd.s32 $0xFFFF6000  }
0x5f: {  	[hbm4b:s1+s2] =	stream.linear.scatter [tilespmem:s7], [sflag:$0x3], $0xA000, $0x38;
	[tilespmem:$0x15900] =	vst v63  }
0x60: {  	_ =	swait.ge [sflag:s3], $0xA000  }
0x61: {  	[sflag:s3] =	ssyncset.done $0x0  }
0x62: {  	s0 =	rddreg [dreg:$0x1a];
	[sflag:s3] =	ssyncadd.s32 $0xFFFF6000  }
0x63: {  	[tilespmem:s7], [sflag:$0x2] =	stream.indirect.gather [hbm4b:s4+s6], $0x40, s0, s6, $0xb8;
	[tilespmem:$0x15900] =	vst v63  }
0x64: {  	s1 =	rddreg [dreg:$0x1b]  }
0x65: {  	[tilespmem:s10], [sflag:$0x2] =	stream.indirect.gather [hbm4b:s4+s6], $0x40, s1, s6, $0xb8;
	[tilespmem:$0x15900] =	vst v63  }
0x66: {  	s0 =	rddreg [dreg:$0x1c]  }
0x67: {  	[tilespmem:s13], [sflag:$0x2] =	stream.indirect.gather [hbm4b:s4+s6], $0x40, s0, s6, $0xb8;
	[tilespmem:$0x15900] =	vst v63  }
0x68: {  	s1 =	rddreg [dreg:$0x1d]  }
0x69: {  	[tilespmem:s15], [sflag:$0x2] =	stream.indirect.gather [hbm4b:s4+s6], $0x40, s1, s6, $0xb8;
	[tilespmem:$0x15900] =	vst v63  }
0x6a: {  	s0 =	rddreg [dreg:$0x1e]  }
0x6b: {  	[tilespmem:s17], [sflag:$0x2] =	stream.indirect.gather [hbm4b:s4+s6], $0x40, s0, s6, $0xb8;
	[tilespmem:$0x15900] =	vst v63  }
0x6c: {  	_ =	swait.ge [sflag:s16], $0xA000  }
0x6d: {  	[sflag:s16] =	ssyncset.done $0x0  }
0x6e: {  	s1 =	rddreg [dreg:$0x7];
	[sflag:s16] =	ssyncadd.s32 $0xFFFF6000  }
0x6f: {  	[hbm4b:s1+s2] =	stream.linear.scatter [tilespmem:s5], [sflag:$0x3], $0xA000, $0x38;
	[tilespmem:$0x15900] =	vst v63  }
0x70: {  	_ =	swait.ge [sflag:s3], $0xA000  }
0x71: {  	s0 =	rddreg [dreg:$0x1f];
	[sflag:s3] =	ssyncset.done $0x0  }
0x72: {  	s1 =	sld [smem:$0x7ED];
	[sflag:s3] =	ssyncadd.s32 $0xFFFF6000  }
0x73: {  	[tilespmem:s5], [sflag:$0x1] =	stream.indirect.gather [hbm4b:s4+s6], $0x40, s0, s6, $0xb8;
	[tilespmem:$0x15900] =	vst v63  }
0x74: {  	s0 =	sld [smem:$0x7EE]  }
0x75: {  	[tilespmem:s8], [sflag:$0x1] =	stream.indirect.gather [hbm4b:s4+s6], $0x40, s1, s6, $0xb8;
	[tilespmem:$0x15900] =	vst v63  }
0x76: {  	s1 =	sld [smem:$0x7EF]  }
0x77: {  	[tilespmem:s9], [sflag:$0x1] =	stream.indirect.gather [hbm4b:s4+s6], $0x40, s0, s6, $0xb8;
	[tilespmem:$0x15900] =	vst v63  }
0x78: {  	s0 =	sld [smem:$0x7F0]  }
0x79: {  	[tilespmem:s12], [sflag:$0x1] =	stream.indirect.gather [hbm4b:s4+s6], $0x40, s1, s6, $0xb8;
	[tilespmem:$0x15900] =	vst v63  }
0x7a: {  	_ = 	snop  }
0x7b: {  	[tilespmem:s14], [sflag:$0x1] =	stream.indirect.gather [hbm4b:s4+s6], $0x40, s0, s6, $0xb8;
	[tilespmem:$0x15900] =	vst v63  }
0x7c: {  	_ =	swait.ge [sflag:s11], $0xA000  }
0x7d: {  	[sflag:s11] =	ssyncset.done $0x0  }
0x7e: {  	s1 =	rddreg [dreg:$0x8];
	[sflag:s11] =	ssyncadd.s32 $0xFFFF6000  }
0x7f: {  	[hbm4b:s1+s2] =	stream.linear.scatter [tilespmem:s7], [sflag:$0x3], $0xA000, $0x38;
	[tilespmem:$0x15900] =	vst v63  }
0x80: {  	_ =	swait.ge [sflag:s3], $0xA000  }
0x81: {  	s0 =	sld [smem:$0x7F1]  }
0x82: {  	[sflag:s3] =	ssyncset.done $0x0  }
0x83: {  	s1 =	sld [smem:$0x7F2];
	[sflag:s3] =	ssyncadd.s32 $0xFFFF6000  }
0x84: {  	[tilespmem:s7], [sflag:$0x2] =	stream.indirect.gather [hbm4b:s4+s6], $0x40, s0, s6, $0xb8;
	[tilespmem:$0x15900] =	vst v63  }
0x85: {  	s0 =	sld [smem:$0x7F3]  }
0x86: {  	[tilespmem:s10], [sflag:$0x2] =	stream.indirect.gather [hbm4b:s4+s6], $0x40, s1, s6, $0xb8;
	[tilespmem:$0x15900] =	vst v63  }
0x87: {  	s1 =	sld [smem:$0x7F4]  }
0x88: {  	[tilespmem:s13], [sflag:$0x2] =	stream.indirect.gather [hbm4b:s4+s6], $0x40, s0, s6, $0xb8;
	[tilespmem:$0x15900] =	vst v63  }
0x89: {  	s0 =	sld [smem:$0x7F5]  }
0x8a: {  	[tilespmem:s15], [sflag:$0x2] =	stream.indirect.gather [hbm4b:s4+s6], $0x40, s1, s6, $0xb8;
	[tilespmem:$0x15900] =	vst v63  }
0x8b: {  	_ = 	snop  }
0x8c: {  	[tilespmem:s17], [sflag:$0x2] =	stream.indirect.gather [hbm4b:s4+s6], $0x40, s0, s6, $0xb8;
	[tilespmem:$0x15900] =	vst v63  }
0x8d: {  	_ =	swait.ge [sflag:s16], $0xA000  }
0x8e: {  	[sflag:s16] =	ssyncset.done $0x0  }
0x8f: {  	s1 =	rddreg [dreg:$0x9];
	[sflag:s16] =	ssyncadd.s32 $0xFFFF6000  }
0x90: {  	[hbm4b:s1+s2] =	stream.linear.scatter [tilespmem:s5], [sflag:$0x3], $0xA000, $0x38;
	[tilespmem:$0x15900] =	vst v63  }
0x91: {  	_ =	swait.ge [sflag:s3], $0xA000  }
0x92: {  	s0 =	sld [smem:$0x7F6]  }
0x93: {  	[sflag:s3] =	ssyncset.done $0x0  }
0x94: {  	s1 =	sld [smem:$0x7F7];
	[sflag:s3] =	ssyncadd.s32 $0xFFFF6000  }
0x95: {  	[tilespmem:s5], [sflag:$0x1] =	stream.indirect.gather [hbm4b:s4+s6], $0x40, s0, s6, $0xb8;
	[tilespmem:$0x15900] =	vst v63  }
0x96: {  	s0 =	sld [smem:$0x7F8]  }
0x97: {  	[tilespmem:s8], [sflag:$0x1] =	stream.indirect.gather [hbm4b:s4+s6], $0x40, s1, s6, $0xb8;
	[tilespmem:$0x15900] =	vst v63  }
0x98: {  	s1 =	sld [smem:$0x7F9]  }
0x99: {  	[tilespmem:s9], [sflag:$0x1] =	stream.indirect.gather [hbm4b:s4+s6], $0x40, s0, s6, $0xb8;
	[tilespmem:$0x15900] =	vst v63  }
0x9a: {  	s0 =	sld [smem:$0x7FA]  }
0x9b: {  	[tilespmem:s12], [sflag:$0x1] =	stream.indirect.gather [hbm4b:s4+s6], $0x40, s1, s6, $0xb8;
	[tilespmem:$0x15900] =	vst v63  }
0x9c: {  	_ = 	snop  }
0x9d: {  	[tilespmem:s14], [sflag:$0x1] =	stream.indirect.gather [hbm4b:s4+s6], $0x40, s0, s6, $0xb8;
	[tilespmem:$0x15900] =	vst v63  }
0x9e: {  	_ =	swait.ge [sflag:s11], $0xA000  }
0x9f: {  	[sflag:s11] =	ssyncset.done $0x0  }
0xa0: {  	s1 =	rddreg [dreg:$0xa];
	[sflag:s11] =	ssyncadd.s32 $0xFFFF6000  }
0xa1: {  	[hbm4b:s1+s2] =	stream.linear.scatter [tilespmem:s7], [sflag:$0x3], $0xA000, $0x38;
	[tilespmem:$0x15900] =	vst v63  }
0xa2: {  	_ =	swait.ge [sflag:s3], $0xA000  }
0xa3: {  	s0 =	sld [smem:$0x7FB]  }
0xa4: {  	[sflag:s3] =	ssyncset.done $0x0  }
0xa5: {  	s1 =	sld [smem:$0x7FC];
	[sflag:s3] =	ssyncadd.s32 $0xFFFF6000  }
0xa6: {  	[tilespmem:s7], [sflag:$0x2] =	stream.indirect.gather [hbm4b:s4+s6], $0x40, s0, s6, $0xb8;
	[tilespmem:$0x15900] =	vst v63  }
0xa7: {  	s0 =	sld [smem:$0x7FD]  }
0xa8: {  	[tilespmem:s10], [sflag:$0x2] =	stream.indirect.gather [hbm4b:s4+s6], $0x40, s1, s6, $0xb8;
	[tilespmem:$0x15900] =	vst v63  }
0xa9: {  	_ = 	snop  }
0xaa: {  	[tilespmem:s13], [sflag:$0x2] =	stream.indirect.gather [hbm4b:s4+s6], $0x40, s0, s6, $0xb8;
	[tilespmem:$0x15900] =	vst v63  }
0xab: {  	_ = 	snop  }
0xac: {  	[tilespmem:s15], [sflag:$0x2] =	stream.indirect.gather [hbm4b:s4+s6], $0x40, s31, s6, $0xb8;
	[tilespmem:$0x15900] =	vst v63  }
0xad: {  	_ = 	snop  }
0xae: {  	[tilespmem:s17], [sflag:$0x2] =	stream.indirect.gather [hbm4b:s4+s6], $0x40, s24, s6, $0xb8;
	[tilespmem:$0x15900] =	vst v63  }
0xaf: {  	_ =	swait.ge [sflag:s16], $0xA000  }
0xb0: {  	[sflag:s16] =	ssyncset.done $0x0  }
0xb1: {  	s1 =	rddreg [dreg:$0xb];
	[sflag:s16] =	ssyncadd.s32 $0xFFFF6000  }
0xb2: {  	[hbm4b:s1+s2] =	stream.linear.scatter [tilespmem:s5], [sflag:$0x3], $0xA000, $0x38;
	[tilespmem:$0x15900] =	vst v63  }
0xb3: {  	_ =	swait.ge [sflag:s3], $0xA000  }
0xb4: {  	[sflag:s3] =	ssyncset.done $0x0  }
0xb5: {  	s1 =	simm.s32 $0x1400;
	[sflag:s3] =	ssyncadd.s32 $0xFFFF6000  }
0xb6: {  	[tilespmem:s5], [sflag:$0x1] =	stream.indirect.gather [hbm4b:s4+s6], $0x40, s1, s6, $0xb8;
	[tilespmem:$0x15900] =	vst v63  }
0xb7: {  	_ = 	snop  }
0xb8: {  	[tilespmem:s8], [sflag:$0x1] =	stream.indirect.gather [hbm4b:s4+s6], $0x40, s25, s6, $0xb8;
	[tilespmem:$0x15900] =	vst v63  }
0xb9: {  	_ = 	snop  }
0xba: {  	[tilespmem:s9], [sflag:$0x1] =	stream.indirect.gather [hbm4b:s4+s6], $0x40, s26, s6, $0xb8;
	[tilespmem:$0x15900] =	vst v63  }
0xbb: {  	_ = 	snop  }
0xbc: {  	[tilespmem:s12], [sflag:$0x1] =	stream.indirect.gather [hbm4b:s4+s6], $0x40, s29, s6, $0xb8;
	[tilespmem:$0x15900] =	vst v63  }
0xbd: {  	_ = 	snop  }
0xbe: {  	[tilespmem:s14], [sflag:$0x1] =	stream.indirect.gather [hbm4b:s4+s6], $0x40, s30, s6, $0xb8;
	[tilespmem:$0x15900] =	vst v63  }
0xbf: {  	_ =	swait.ge [sflag:s11], $0xA000  }
0xc0: {  	[sflag:s11] =	ssyncset.done $0x0  }
0xc1: {  	s1 =	rddreg [dreg:$0xc];
	[sflag:s11] =	ssyncadd.s32 $0xFFFF6000  }
0xc2: {  	[hbm4b:s1+s2] =	stream.linear.scatter [tilespmem:s7], [sflag:$0x3], $0xA000, $0x38;
	[tilespmem:$0x15900] =	vst v63  }
0xc3: {  	_ =	swait.ge [sflag:s3], $0xA000  }
0xc4: {  	[sflag:s3] =	ssyncset.done $0x0  }
0xc5: {  	[sflag:s3] =	ssyncadd.s32 $0xFFFF6000  }
0xc6: {  	[tilespmem:s7], [sflag:$0x2] =	stream.indirect.gather [hbm4b:s4+s6], $0x40, s19, s6, $0xb8;
	[tilespmem:$0x15900] =	vst v63  }
0xc7: {  	_ = 	snop  }
0xc8: {  	[tilespmem:s10], [sflag:$0x2] =	stream.indirect.gather [hbm4b:s4+s6], $0x40, s20, s6, $0xb8;
	[tilespmem:$0x15900] =	vst v63  }
0xc9: {  	_ = 	snop  }
0xca: {  	[tilespmem:s13], [sflag:$0x2] =	stream.indirect.gather [hbm4b:s4+s6], $0x40, s21, s6, $0xb8;
	[tilespmem:$0x15900] =	vst v63  }
0xcb: {  	_ = 	snop  }
0xcc: {  	[tilespmem:s15], [sflag:$0x2] =	stream.indirect.gather [hbm4b:s4+s6], $0x40, s22, s6, $0xb8;
	[tilespmem:$0x15900] =	vst v63  }
0xcd: {  	_ = 	snop  }
0xce: {  	[tilespmem:s17], [sflag:$0x2] =	stream.indirect.gather [hbm4b:s4+s6], $0x40, s23, s6, $0xb8;
	[tilespmem:$0x15900] =	vst v63  }
0xcf: {  	_ =	swait.ge [sflag:s16], $0xA000  }
0xd0: {  	[sflag:s16] =	ssyncset.done $0x0  }
0xd1: {  	s1 =	rddreg [dreg:$0x4];
	[sflag:s16] =	ssyncadd.s32 $0xFFFF6000  }
0xd2: {  	[hbm4b:s1+s2] =	stream.linear.scatter [tilespmem:s5], [sflag:$0x3], $0xA000, $0x38;
	[tilespmem:$0x15900] =	vst v63  }
0xd3: {  	_ =	swait.ge [sflag:s3], $0xA000  }
0xd4: {  	[sflag:s3] =	ssyncset.done $0x0  }
0xd5: {  	[sflag:s3] =	ssyncadd.s32 $0xFFFF6000  }
0xd6: {  	p1 =	sne.s32 s18, $0x1;
	_ =	swait.ge [sflag:s11], $0xA000  }
.Ltmp1:
0xd7: {  	[sflag:s11] =	ssyncset.done $0x0;
	(pc) =	sbr.rel @!p1 .LBB2_3-.Ltmp1, $4  }
0xd8: {  	s1 =	rddreg [dreg:$0x5];
	[sflag:s11] =	ssyncadd.s32 $0xFFFF6000  }
0xd9: {  	[hbm4b:s1+s2] =	stream.linear.scatter [tilespmem:s7], [sflag:$0x3], $0xA000, $0x38;
	[tilespmem:$0x15900] =	vst v63  }
0xda: {  	p0 =	por $0x1, $0x1;
	_ =	swait.ge [sflag:s3], $0xA000  }
0xdb: {  	s1 =	sadd.s32 $0xFFFFFFFF, s18;
	s0 =	rddreg [dreg:$0x3];
	[sflag:s3] =	ssyncset.done $0x0  }
.LBB2_4:
0xdc: {  	[sflag:s3] =	ssyncadd.s32 $0xFFFF6000  }
0xdd: {  	[tilespmem:s2], [sflag:$0x3] =	stream.linear.gather [hbm4b:s0+s2], $0x1900, $0x38;
	[tilespmem:$0x15900] =	vst v63  }
0xde: {  	_ =	swait.ge [sflag:s3], $0x1900  }
0xdf: {  	[sflag:s3] =	ssyncset.done $0x0  }
0xe0: {  	[sflag:s3] =	ssyncadd.s32 $0xFFFFE700  }
0xe1: {  	[tilespmem:s5], [sflag:$0x1] =	stream.indirect.gather [hbm4b:s4+s6], $0x40, s2, s6, $0xb8;
	[tilespmem:$0x15900] =	vst v63  }
0xe2: {  	_ = 	snop  }
0xe3: {  	[tilespmem:s8], [sflag:$0x1] =	stream.indirect.gather [hbm4b:s4+s6], $0x40, s6, s6, $0xb8;
	[tilespmem:$0x15900] =	vst v63  }
0xe4: {  	s0 =	rddreg [dreg:$0xd]  }
0xe5: {  	[tilespmem:s9], [sflag:$0x1] =	stream.indirect.gather [hbm4b:s4+s6], $0x40, s0, s6, $0xb8;
	[tilespmem:$0x15900] =	vst v63  }
0xe6: {  	s18 =	rddreg [dreg:$0xe]  }
0xe7: {  	[tilespmem:s12], [sflag:$0x1] =	stream.indirect.gather [hbm4b:s4+s6], $0x40, s18, s6, $0xb8;
	[tilespmem:$0x15900] =	vst v63  }
0xe8: {  	s0 =	rddreg [dreg:$0xf]  }
0xe9: {  	[tilespmem:s14], [sflag:$0x1] =	stream.indirect.gather [hbm4b:s4+s6], $0x40, s0, s6, $0xb8;
	[tilespmem:$0x15900] =	vst v63  }
0xea: {  	s18 =	rddreg [dreg:$0x10]  }
0xeb: {  	[tilespmem:s7], [sflag:$0x2] =	stream.indirect.gather [hbm4b:s4+s6], $0x40, s18, s6, $0xb8;
	[tilespmem:$0x15900] =	vst v63  }
0xec: {  	s0 =	rddreg [dreg:$0x11]  }
0xed: {  	[tilespmem:s10], [sflag:$0x2] =	stream.indirect.gather [hbm4b:s4+s6], $0x40, s0, s6, $0xb8;
	[tilespmem:$0x15900] =	vst v63  }
0xee: {  	s18 =	rddreg [dreg:$0x12]  }
0xef: {  	[tilespmem:s13], [sflag:$0x2] =	stream.indirect.gather [hbm4b:s4+s6], $0x40, s18, s6, $0xb8;
	[tilespmem:$0x15900] =	vst v63  }
0xf0: {  	s0 =	rddreg [dreg:$0x13]  }
0xf1: {  	[tilespmem:s15], [sflag:$0x2] =	stream.indirect.gather [hbm4b:s4+s6], $0x40, s0, s6, $0xb8;
	[tilespmem:$0x15900] =	vst v63  }
0xf2: {  	s18 =	rddreg [dreg:$0x14]  }
0xf3: {  	[tilespmem:s17], [sflag:$0x2] =	stream.indirect.gather [hbm4b:s4+s6], $0x40, s18, s6, $0xb8;
	[tilespmem:$0x15900] =	vst v63  }
0xf4: {  	_ =	swait.ge [sflag:s16], $0xA000  }
0xf5: {  	[sflag:s16] =	ssyncset.done $0x0  }
0xf6: {  	[sflag:s16] =	ssyncadd.s32 $0xFFFF6000  }
0xf7: {  	[hbm4b:s28+s2] =	stream.linear.scatter [tilespmem:s5], [sflag:$0x3], $0xA000, $0x38;
	[tilespmem:$0x15900] =	vst v63  }
0xf8: {  	_ =	swait.ge [sflag:s3], $0xA000  }
0xf9: {  	[sflag:s3] =	ssyncset.done $0x0  }
0xfa: {  	s0 =	rddreg [dreg:$0x15];
	[sflag:s3] =	ssyncadd.s32 $0xFFFF6000  }
0xfb: {  	[tilespmem:s5], [sflag:$0x1] =	stream.indirect.gather [hbm4b:s4+s6], $0x40, s0, s6, $0xb8;
	[tilespmem:$0x15900] =	vst v63  }
0xfc: {  	s18 =	rddreg [dreg:$0x16]  }
0xfd: {  	[tilespmem:s8], [sflag:$0x1] =	stream.indirect.gather [hbm4b:s4+s6], $0x40, s18, s6, $0xb8;
	[tilespmem:$0x15900] =	vst v63  }
0xfe: {  	s0 =	rddreg [dreg:$0x17]  }
0xff: {  	[tilespmem:s9], [sflag:$0x1] =	stream.indirect.gather [hbm4b:s4+s6], $0x40, s0, s6, $0xb8;
	[tilespmem:$0x15900] =	vst v63  }
0x100: {  	s18 =	rddreg [dreg:$0x18]  }
0x101: {  	[tilespmem:s12], [sflag:$0x1] =	stream.indirect.gather [hbm4b:s4+s6], $0x40, s18, s6, $0xb8;
	[tilespmem:$0x15900] =	vst v63  }
0x102: {  	s0 =	rddreg [dreg:$0x19]  }
0x103: {  	[tilespmem:s14], [sflag:$0x1] =	stream.indirect.gather [hbm4b:s4+s6], $0x40, s0, s6, $0xb8;
	[tilespmem:$0x15900] =	vst v63  }
0x104: {  	_ =	swait.ge [sflag:s11], $0xA000  }
0x105: {  	[sflag:s11] =	ssyncset.done $0x0  }
0x106: {  	s18 =	rddreg [dreg:$0x6];
	[sflag:s11] =	ssyncadd.s32 $0xFFFF6000  }
0x107: {  	[hbm4b:s18+s2] =	stream.linear.scatter [tilespmem:s7], [sflag:$0x3], $0xA000, $0x38;
	[tilespmem:$0x15900] =	vst v63  }
0x108: {  	_ =	swait.ge [sflag:s3], $0xA000  }
0x109: {  	[sflag:s3] =	ssyncset.done $0x0  }
0x10a: {  	s0 =	rddreg [dreg:$0x1a];
	[sflag:s3] =	ssyncadd.s32 $0xFFFF6000  }
0x10b: {  	[tilespmem:s7], [sflag:$0x2] =	stream.indirect.gather [hbm4b:s4+s6], $0x40, s0, s6, $0xb8;
	[tilespmem:$0x15900] =	vst v63  }
0x10c: {  	s18 =	rddreg [dreg:$0x1b]  }
0x10d: {  	[tilespmem:s10], [sflag:$0x2] =	stream.indirect.gather [hbm4b:s4+s6], $0x40, s18, s6, $0xb8;
	[tilespmem:$0x15900] =	vst v63  }
0x10e: {  	s0 =	rddreg [dreg:$0x1c]  }
0x10f: {  	[tilespmem:s13], [sflag:$0x2] =	stream.indirect.gather [hbm4b:s4+s6], $0x40, s0, s6, $0xb8;
	[tilespmem:$0x15900] =	vst v63  }
0x110: {  	s18 =	rddreg [dreg:$0x1d]  }
0x111: {  	[tilespmem:s15], [sflag:$0x2] =	stream.indirect.gather [hbm4b:s4+s6], $0x40, s18, s6, $0xb8;
	[tilespmem:$0x15900] =	vst v63  }
0x112: {  	s0 =	rddreg [dreg:$0x1e]  }
0x113: {  	[tilespmem:s17], [sflag:$0x2] =	stream.indirect.gather [hbm4b:s4+s6], $0x40, s0, s6, $0xb8;
	[tilespmem:$0x15900] =	vst v63  }
0x114: {  	_ =	swait.ge [sflag:s16], $0xA000  }
0x115: {  	[sflag:s16] =	ssyncset.done $0x0  }
0x116: {  	s18 =	rddreg [dreg:$0x7];
	[sflag:s16] =	ssyncadd.s32 $0xFFFF6000  }
0x117: {  	[hbm4b:s18+s2] =	stream.linear.scatter [tilespmem:s5], [sflag:$0x3], $0xA000, $0x38;
	[tilespmem:$0x15900] =	vst v63  }
0x118: {  	_ =	swait.ge [sflag:s3], $0xA000  }
0x119: {  	s0 =	rddreg [dreg:$0x1f];
	[sflag:s3] =	ssyncset.done $0x0  }
0x11a: {  	s18 =	sld [smem:$0x7ED];
	[sflag:s3] =	ssyncadd.s32 $0xFFFF6000  }
0x11b: {  	[tilespmem:s5], [sflag:$0x1] =	stream.indirect.gather [hbm4b:s4+s6], $0x40, s0, s6, $0xb8;
	[tilespmem:$0x15900] =	vst v63  }
0x11c: {  	s0 =	sld [smem:$0x7EE]  }
0x11d: {  	[tilespmem:s8], [sflag:$0x1] =	stream.indirect.gather [hbm4b:s4+s6], $0x40, s18, s6, $0xb8;
	[tilespmem:$0x15900] =	vst v63  }
0x11e: {  	s18 =	sld [smem:$0x7EF]  }
0x11f: {  	[tilespmem:s9], [sflag:$0x1] =	stream.indirect.gather [hbm4b:s4+s6], $0x40, s0, s6, $0xb8;
	[tilespmem:$0x15900] =	vst v63  }
0x120: {  	s0 =	sld [smem:$0x7F0]  }
0x121: {  	[tilespmem:s12], [sflag:$0x1] =	stream.indirect.gather [hbm4b:s4+s6], $0x40, s18, s6, $0xb8;
	[tilespmem:$0x15900] =	vst v63  }
0x122: {  	_ = 	snop  }
0x123: {  	[tilespmem:s14], [sflag:$0x1] =	stream.indirect.gather [hbm4b:s4+s6], $0x40, s0, s6, $0xb8;
	[tilespmem:$0x15900] =	vst v63  }
0x124: {  	_ =	swait.ge [sflag:s11], $0xA000  }
0x125: {  	[sflag:s11] =	ssyncset.done $0x0  }
0x126: {  	s18 =	rddreg [dreg:$0x8];
	[sflag:s11] =	ssyncadd.s32 $0xFFFF6000  }
0x127: {  	[hbm4b:s18+s2] =	stream.linear.scatter [tilespmem:s7], [sflag:$0x3], $0xA000, $0x38;
	[tilespmem:$0x15900] =	vst v63  }
0x128: {  	_ =	swait.ge [sflag:s3], $0xA000  }
0x129: {  	s0 =	sld [smem:$0x7F1]  }
0x12a: {  	[sflag:s3] =	ssyncset.done $0x0  }
0x12b: {  	s18 =	sld [smem:$0x7F2];
	[sflag:s3] =	ssyncadd.s32 $0xFFFF6000  }
0x12c: {  	[tilespmem:s7], [sflag:$0x2] =	stream.indirect.gather [hbm4b:s4+s6], $0x40, s0, s6, $0xb8;
	[tilespmem:$0x15900] =	vst v63  }
0x12d: {  	s0 =	sld [smem:$0x7F3]  }
0x12e: {  	[tilespmem:s10], [sflag:$0x2] =	stream.indirect.gather [hbm4b:s4+s6], $0x40, s18, s6, $0xb8;
	[tilespmem:$0x15900] =	vst v63  }
0x12f: {  	s18 =	sld [smem:$0x7F4]  }
0x130: {  	[tilespmem:s13], [sflag:$0x2] =	stream.indirect.gather [hbm4b:s4+s6], $0x40, s0, s6, $0xb8;
	[tilespmem:$0x15900] =	vst v63  }
0x131: {  	s0 =	sld [smem:$0x7F5]  }
0x132: {  	[tilespmem:s15], [sflag:$0x2] =	stream.indirect.gather [hbm4b:s4+s6], $0x40, s18, s6, $0xb8;
	[tilespmem:$0x15900] =	vst v63  }
0x133: {  	_ = 	snop  }
0x134: {  	[tilespmem:s17], [sflag:$0x2] =	stream.indirect.gather [hbm4b:s4+s6], $0x40, s0, s6, $0xb8;
	[tilespmem:$0x15900] =	vst v63  }
0x135: {  	_ =	swait.ge [sflag:s16], $0xA000  }
0x136: {  	[sflag:s16] =	ssyncset.done $0x0  }
0x137: {  	s18 =	rddreg [dreg:$0x9];
	[sflag:s16] =	ssyncadd.s32 $0xFFFF6000  }
0x138: {  	[hbm4b:s18+s2] =	stream.linear.scatter [tilespmem:s5], [sflag:$0x3], $0xA000, $0x38;
	[tilespmem:$0x15900] =	vst v63  }
0x139: {  	_ =	swait.ge [sflag:s3], $0xA000  }
0x13a: {  	s0 =	sld [smem:$0x7F6]  }
0x13b: {  	[sflag:s3] =	ssyncset.done $0x0  }
0x13c: {  	s18 =	sld [smem:$0x7F7];
	[sflag:s3] =	ssyncadd.s32 $0xFFFF6000  }
0x13d: {  	[tilespmem:s5], [sflag:$0x1] =	stream.indirect.gather [hbm4b:s4+s6], $0x40, s0, s6, $0xb8;
	[tilespmem:$0x15900] =	vst v63  }
0x13e: {  	s0 =	sld [smem:$0x7F8]  }
0x13f: {  	[tilespmem:s8], [sflag:$0x1] =	stream.indirect.gather [hbm4b:s4+s6], $0x40, s18, s6, $0xb8;
	[tilespmem:$0x15900] =	vst v63  }
0x140: {  	s18 =	sld [smem:$0x7F9]  }
0x141: {  	[tilespmem:s9], [sflag:$0x1] =	stream.indirect.gather [hbm4b:s4+s6], $0x40, s0, s6, $0xb8;
	[tilespmem:$0x15900] =	vst v63  }
0x142: {  	s0 =	sld [smem:$0x7FA]  }
0x143: {  	[tilespmem:s12], [sflag:$0x1] =	stream.indirect.gather [hbm4b:s4+s6], $0x40, s18, s6, $0xb8;
	[tilespmem:$0x15900] =	vst v63  }
0x144: {  	_ = 	snop  }
0x145: {  	[tilespmem:s14], [sflag:$0x1] =	stream.indirect.gather [hbm4b:s4+s6], $0x40, s0, s6, $0xb8;
	[tilespmem:$0x15900] =	vst v63  }
0x146: {  	_ =	swait.ge [sflag:s11], $0xA000  }
0x147: {  	[sflag:s11] =	ssyncset.done $0x0  }
0x148: {  	s18 =	rddreg [dreg:$0xa];
	[sflag:s11] =	ssyncadd.s32 $0xFFFF6000  }
0x149: {  	[hbm4b:s18+s2] =	stream.linear.scatter [tilespmem:s7], [sflag:$0x3], $0xA000, $0x38;
	[tilespmem:$0x15900] =	vst v63  }
0x14a: {  	_ =	swait.ge [sflag:s3], $0xA000  }
0x14b: {  	s0 =	sld [smem:$0x7FB]  }
0x14c: {  	[sflag:s3] =	ssyncset.done $0x0  }
0x14d: {  	s18 =	sld [smem:$0x7FC];
	[sflag:s3] =	ssyncadd.s32 $0xFFFF6000  }
0x14e: {  	[tilespmem:s7], [sflag:$0x2] =	stream.indirect.gather [hbm4b:s4+s6], $0x40, s0, s6, $0xb8;
	[tilespmem:$0x15900] =	vst v63  }
0x14f: {  	s0 =	sld [smem:$0x7FD]  }
0x150: {  	[tilespmem:s10], [sflag:$0x2] =	stream.indirect.gather [hbm4b:s4+s6], $0x40, s18, s6, $0xb8;
	[tilespmem:$0x15900] =	vst v63  }
0x151: {  	_ = 	snop  }
0x152: {  	[tilespmem:s13], [sflag:$0x2] =	stream.indirect.gather [hbm4b:s4+s6], $0x40, s0, s6, $0xb8;
	[tilespmem:$0x15900] =	vst v63  }
0x153: {  	_ = 	snop  }
0x154: {  	[tilespmem:s15], [sflag:$0x2] =	stream.indirect.gather [hbm4b:s4+s6], $0x40, s31, s6, $0xb8;
	[tilespmem:$0x15900] =	vst v63  }
0x155: {  	_ = 	snop  }
0x156: {  	[tilespmem:s17], [sflag:$0x2] =	stream.indirect.gather [hbm4b:s4+s6], $0x40, s24, s6, $0xb8;
	[tilespmem:$0x15900] =	vst v63  }
0x157: {  	_ =	swait.ge [sflag:s16], $0xA000  }
0x158: {  	[sflag:s16] =	ssyncset.done $0x0  }
0x159: {  	s18 =	rddreg [dreg:$0xb];
	[sflag:s16] =	ssyncadd.s32 $0xFFFF6000  }
0x15a: {  	[hbm4b:s18+s2] =	stream.linear.scatter [tilespmem:s5], [sflag:$0x3], $0xA000, $0x38;
	[tilespmem:$0x15900] =	vst v63  }
0x15b: {  	_ =	swait.ge [sflag:s3], $0xA000  }
0x15c: {  	[sflag:s3] =	ssyncset.done $0x0  }
0x15d: {  	s18 =	simm.s32 $0x1400;
	[sflag:s3] =	ssyncadd.s32 $0xFFFF6000  }
0x15e: {  	[tilespmem:s5], [sflag:$0x1] =	stream.indirect.gather [hbm4b:s4+s6], $0x40, s18, s6, $0xb8;
	[tilespmem:$0x15900] =	vst v63  }
0x15f: {  	_ = 	snop  }
0x160: {  	[tilespmem:s8], [sflag:$0x1] =	stream.indirect.gather [hbm4b:s4+s6], $0x40, s25, s6, $0xb8;
	[tilespmem:$0x15900] =	vst v63  }
0x161: {  	_ = 	snop  }
0x162: {  	[tilespmem:s9], [sflag:$0x1] =	stream.indirect.gather [hbm4b:s4+s6], $0x40, s26, s6, $0xb8;
	[tilespmem:$0x15900] =	vst v63  }
0x163: {  	_ = 	snop  }
0x164: {  	[tilespmem:s12], [sflag:$0x1] =	stream.indirect.gather [hbm4b:s4+s6], $0x40, s29, s6, $0xb8;
	[tilespmem:$0x15900] =	vst v63  }
0x165: {  	_ = 	snop  }
0x166: {  	[tilespmem:s14], [sflag:$0x1] =	stream.indirect.gather [hbm4b:s4+s6], $0x40, s30, s6, $0xb8;
	[tilespmem:$0x15900] =	vst v63  }
0x167: {  	_ =	swait.ge [sflag:s11], $0xA000  }
0x168: {  	[sflag:s11] =	ssyncset.done $0x0  }
0x169: {  	s18 =	rddreg [dreg:$0xc];
	[sflag:s11] =	ssyncadd.s32 $0xFFFF6000  }
0x16a: {  	[hbm4b:s18+s2] =	stream.linear.scatter [tilespmem:s7], [sflag:$0x3], $0xA000, $0x38;
	[tilespmem:$0x15900] =	vst v63  }
0x16b: {  	_ =	swait.ge [sflag:s3], $0xA000  }
0x16c: {  	[sflag:s3] =	ssyncset.done $0x0  }
0x16d: {  	[sflag:s3] =	ssyncadd.s32 $0xFFFF6000  }
0x16e: {  	[tilespmem:s7], [sflag:$0x2] =	stream.indirect.gather [hbm4b:s4+s6], $0x40, s19, s6, $0xb8;
	[tilespmem:$0x15900] =	vst v63  }
0x16f: {  	_ = 	snop  }
0x170: {  	[tilespmem:s10], [sflag:$0x2] =	stream.indirect.gather [hbm4b:s4+s6], $0x40, s20, s6, $0xb8;
	[tilespmem:$0x15900] =	vst v63  }
0x171: {  	_ = 	snop  }
0x172: {  	[tilespmem:s13], [sflag:$0x2] =	stream.indirect.gather [hbm4b:s4+s6], $0x40, s21, s6, $0xb8;
	[tilespmem:$0x15900] =	vst v63  }
0x173: {  	_ = 	snop  }
0x174: {  	[tilespmem:s15], [sflag:$0x2] =	stream.indirect.gather [hbm4b:s4+s6], $0x40, s22, s6, $0xb8;
	[tilespmem:$0x15900] =	vst v63  }
0x175: {  	_ = 	snop  }
0x176: {  	[tilespmem:s17], [sflag:$0x2] =	stream.indirect.gather [hbm4b:s4+s6], $0x40, s23, s6, $0xb8;
	[tilespmem:$0x15900] =	vst v63  }
0x177: {  	_ =	swait.ge [sflag:s16], $0xA000  }
0x178: {  	[sflag:s16] =	ssyncset.done $0x0  }
0x179: {  	s18 =	rddreg [dreg:$0x4];
	[sflag:s16] =	ssyncadd.s32 $0xFFFF6000  }
0x17a: {  	[hbm4b:s18+s2] =	stream.linear.scatter [tilespmem:s5], [sflag:$0x3], $0xA000, $0x38;
	[tilespmem:$0x15900] =	vst v63  }
0x17b: {  	_ =	swait.ge [sflag:s3], $0xA000  }
0x17c: {  	[sflag:s3] =	ssyncset.done $0x0  }
0x17d: {  	[sflag:s3] =	ssyncadd.s32 $0xFFFF6000  }
0x17e: {  	p1 =	sne.s32 s1, $0x1;
	_ =	swait.ge [sflag:s11], $0xA000  }
.Ltmp2:
0x17f: {  	[sflag:s11] =	ssyncset.done $0x0;
	(pc) =	sbr.rel @p1 .LBB2_4-.Ltmp2, $4  }
0x180: {  	s18 =	rddreg [dreg:$0x5];
	[sflag:s11] =	ssyncadd.s32 $0xFFFF6000  }
0x181: {  	[hbm4b:s18+s2] =	stream.linear.scatter [tilespmem:s7], [sflag:$0x3], $0xA000, $0x38;
	[tilespmem:$0x15900] =	vst v63  }
0x182: {  	_ =	swait.ge [sflag:s3], $0xA000  }
0x183: {  	s1 =	sadd.s32 $0xFFFFFFFF, s1;
	s0 =	rddreg [dreg:$0x3];
	[sflag:s3] =	ssyncset.done $0x0  }
0x184: {  	s23 =	simm.s32 $0x1380;
	s31 =	simm.s32 $0x1300;
	s30 =	simm.s32 $0x1600  }
0x185: {  	s29 =	simm.s32 $0x1580;
	s26 =	simm.s32 $0x1500;
	s25 =	simm.s32 $0x1480  }
0x186: {  	s24 =	simm.s32 $0x1400;
	s22 =	simm.s32 $0x1800;
	s21 =	simm.s32 $0x1780  }
0x187: {  	s20 =	simm.s32 $0x1700;
	s19 =	simm.s32 $0x1680;
	s18 =	stileid.u32  }
.LBB2_6:
0x188: {  	[sflag:s3] =	ssyncadd.s32 @p0 $0xFFFF6000  }
0x189: {  	[tilespmem:s2], [sflag:$0x3] =	stream.linear.gather [hbm4b:s0+s2], $0x1900, $0x38;
	[tilespmem:$0x15900] =	vst v63  }
0x18a: {  	_ =	swait.ge [sflag:s3], $0x1900  }
0x18b: {  	[sflag:s3] =	ssyncset.done $0x0  }
0x18c: {  	[sflag:s3] =	ssyncadd.s32 $0xFFFFE700  }
0x18d: {  	[tilespmem:s5], [sflag:$0x1] =	stream.indirect.gather [hbm4b:s4+s6], $0x40, s2, s6, $0xb8;
	[tilespmem:$0x15900] =	vst v63  }
0x18e: {  	_ = 	snop  }
0x18f: {  	[tilespmem:s8], [sflag:$0x1] =	stream.indirect.gather [hbm4b:s4+s6], $0x40, s6, s6, $0xb8;
	[tilespmem:$0x15900] =	vst v63  }
0x190: {  	s0 =	rddreg [dreg:$0xd]  }
0x191: {  	[tilespmem:s9], [sflag:$0x1] =	stream.indirect.gather [hbm4b:s4+s6], $0x40, s0, s6, $0xb8;
	[tilespmem:$0x15900] =	vst v63  }
0x192: {  	s1 =	rddreg [dreg:$0xe]  }
0x193: {  	[tilespmem:s12], [sflag:$0x1] =	stream.indirect.gather [hbm4b:s4+s6], $0x40, s1, s6, $0xb8;
	[tilespmem:$0x15900] =	vst v63  }
0x194: {  	s0 =	rddreg [dreg:$0xf]  }
0x195: {  	[tilespmem:s14], [sflag:$0x1] =	stream.indirect.gather [hbm4b:s4+s6], $0x40, s0, s6, $0xb8;
	[tilespmem:$0x15900] =	vst v63  }
0x196: {  	s1 =	rddreg [dreg:$0x10]  }
0x197: {  	[tilespmem:s7], [sflag:$0x2] =	stream.indirect.gather [hbm4b:s4+s6], $0x40, s1, s6, $0xb8;
	[tilespmem:$0x15900] =	vst v63  }
0x198: {  	s0 =	rddreg [dreg:$0x11]  }
0x199: {  	[tilespmem:s10], [sflag:$0x2] =	stream.indirect.gather [hbm4b:s4+s6], $0x40, s0, s6, $0xb8;
	[tilespmem:$0x15900] =	vst v63  }
0x19a: {  	s1 =	rddreg [dreg:$0x12]  }
0x19b: {  	[tilespmem:s13], [sflag:$0x2] =	stream.indirect.gather [hbm4b:s4+s6], $0x40, s1, s6, $0xb8;
	[tilespmem:$0x15900] =	vst v63  }
0x19c: {  	s0 =	rddreg [dreg:$0x13]  }
0x19d: {  	[tilespmem:s15], [sflag:$0x2] =	stream.indirect.gather [hbm4b:s4+s6], $0x40, s0, s6, $0xb8;
	[tilespmem:$0x15900] =	vst v63  }
0x19e: {  	s1 =	rddreg [dreg:$0x14]  }
0x19f: {  	[tilespmem:s17], [sflag:$0x2] =	stream.indirect.gather [hbm4b:s4+s6], $0x40, s1, s6, $0xb8;
	[tilespmem:$0x15900] =	vst v63  }
0x1a0: {  	_ =	swait.ge [sflag:s16], $0xA000  }
0x1a1: {  	[sflag:s16] =	ssyncset.done $0x0  }
0x1a2: {  	[sflag:s16] =	ssyncadd.s32 $0xFFFF6000  }
0x1a3: {  	[hbm4b:s28+s2] =	stream.linear.scatter [tilespmem:s5], [sflag:$0x3], $0xA000, $0x38;
	[tilespmem:$0x15900] =	vst v63  }
0x1a4: {  	_ =	swait.ge [sflag:s3], $0xA000  }
0x1a5: {  	[sflag:s3] =	ssyncset.done $0x0  }
0x1a6: {  	s28 =	rddreg [dreg:$0x15];
	[sflag:s3] =	ssyncadd.s32 $0xFFFF6000  }
0x1a7: {  	[tilespmem:s5], [sflag:$0x1] =	stream.indirect.gather [hbm4b:s4+s6], $0x40, s28, s6, $0xb8;
	[tilespmem:$0x15900] =	vst v63  }
0x1a8: {  	s1 =	rddreg [dreg:$0x16]  }
0x1a9: {  	[tilespmem:s8], [sflag:$0x1] =	stream.indirect.gather [hbm4b:s4+s6], $0x40, s1, s6, $0xb8;
	[tilespmem:$0x15900] =	vst v63  }
0x1aa: {  	s28 =	rddreg [dreg:$0x17]  }
0x1ab: {  	[tilespmem:s9], [sflag:$0x1] =	stream.indirect.gather [hbm4b:s4+s6], $0x40, s28, s6, $0xb8;
	[tilespmem:$0x15900] =	vst v63  }
0x1ac: {  	s1 =	rddreg [dreg:$0x18]  }
0x1ad: {  	[tilespmem:s12], [sflag:$0x1] =	stream.indirect.gather [hbm4b:s4+s6], $0x40, s1, s6, $0xb8;
	[tilespmem:$0x15900] =	vst v63  }
0x1ae: {  	s28 =	rddreg [dreg:$0x19]  }
0x1af: {  	[tilespmem:s14], [sflag:$0x1] =	stream.indirect.gather [hbm4b:s4+s6], $0x40, s28, s6, $0xb8;
	[tilespmem:$0x15900] =	vst v63  }
0x1b0: {  	_ =	swait.ge [sflag:s11], $0xA000  }
0x1b1: {  	[sflag:s11] =	ssyncset.done $0x0  }
0x1b2: {  	s1 =	rddreg [dreg:$0x6];
	[sflag:s11] =	ssyncadd.s32 $0xFFFF6000  }
0x1b3: {  	[hbm4b:s1+s2] =	stream.linear.scatter [tilespmem:s7], [sflag:$0x3], $0xA000, $0x38;
	[tilespmem:$0x15900] =	vst v63  }
0x1b4: {  	_ =	swait.ge [sflag:s3], $0xA000  }
0x1b5: {  	[sflag:s3] =	ssyncset.done $0x0  }
0x1b6: {  	s28 =	rddreg [dreg:$0x1a];
	[sflag:s3] =	ssyncadd.s32 $0xFFFF6000  }
0x1b7: {  	[tilespmem:s7], [sflag:$0x2] =	stream.indirect.gather [hbm4b:s4+s6], $0x40, s28, s6, $0xb8;
	[tilespmem:$0x15900] =	vst v63  }
0x1b8: {  	s1 =	rddreg [dreg:$0x1b]  }
0x1b9: {  	[tilespmem:s10], [sflag:$0x2] =	stream.indirect.gather [hbm4b:s4+s6], $0x40, s1, s6, $0xb8;
	[tilespmem:$0x15900] =	vst v63  }
0x1ba: {  	s28 =	rddreg [dreg:$0x1c]  }
0x1bb: {  	[tilespmem:s13], [sflag:$0x2] =	stream.indirect.gather [hbm4b:s4+s6], $0x40, s28, s6, $0xb8;
	[tilespmem:$0x15900] =	vst v63  }
0x1bc: {  	s1 =	rddreg [dreg:$0x1d]  }
0x1bd: {  	[tilespmem:s15], [sflag:$0x2] =	stream.indirect.gather [hbm4b:s4+s6], $0x40, s1, s6, $0xb8;
	[tilespmem:$0x15900] =	vst v63  }
0x1be: {  	s28 =	rddreg [dreg:$0x1e]  }
0x1bf: {  	[tilespmem:s17], [sflag:$0x2] =	stream.indirect.gather [hbm4b:s4+s6], $0x40, s28, s6, $0xb8;
	[tilespmem:$0x15900] =	vst v63  }
0x1c0: {  	_ =	swait.ge [sflag:s16], $0xA000  }
0x1c1: {  	[sflag:s16] =	ssyncset.done $0x0  }
0x1c2: {  	s1 =	rddreg [dreg:$0x7];
	[sflag:s16] =	ssyncadd.s32 $0xFFFF6000  }
0x1c3: {  	[hbm4b:s1+s2] =	stream.linear.scatter [tilespmem:s5], [sflag:$0x3], $0xA000, $0x38;
	[tilespmem:$0x15900] =	vst v63  }
0x1c4: {  	_ =	swait.ge [sflag:s3], $0xA000  }
0x1c5: {  	s28 =	rddreg [dreg:$0x1f];
	[sflag:s3] =	ssyncset.done $0x0  }
0x1c6: {  	s1 =	sld [smem:$0x7ED];
	[sflag:s3] =	ssyncadd.s32 $0xFFFF6000  }
0x1c7: {  	[tilespmem:s5], [sflag:$0x1] =	stream.indirect.gather [hbm4b:s4+s6], $0x40, s28, s6, $0xb8;
	[tilespmem:$0x15900] =	vst v63  }
0x1c8: {  	s28 =	sld [smem:$0x7EE]  }
0x1c9: {  	[tilespmem:s8], [sflag:$0x1] =	stream.indirect.gather [hbm4b:s4+s6], $0x40, s1, s6, $0xb8;
	[tilespmem:$0x15900] =	vst v63  }
0x1ca: {  	s1 =	sld [smem:$0x7EF]  }
0x1cb: {  	[tilespmem:s9], [sflag:$0x1] =	stream.indirect.gather [hbm4b:s4+s6], $0x40, s28, s6, $0xb8;
	[tilespmem:$0x15900] =	vst v63  }
0x1cc: {  	s28 =	sld [smem:$0x7F0]  }
0x1cd: {  	[tilespmem:s12], [sflag:$0x1] =	stream.indirect.gather [hbm4b:s4+s6], $0x40, s1, s6, $0xb8;
	[tilespmem:$0x15900] =	vst v63  }
0x1ce: {  	_ = 	snop  }
0x1cf: {  	[tilespmem:s14], [sflag:$0x1] =	stream.indirect.gather [hbm4b:s4+s6], $0x40, s28, s6, $0xb8;
	[tilespmem:$0x15900] =	vst v63  }
0x1d0: {  	_ =	swait.ge [sflag:s11], $0xA000  }
0x1d1: {  	[sflag:s11] =	ssyncset.done $0x0  }
0x1d2: {  	s1 =	rddreg [dreg:$0x8];
	[sflag:s11] =	ssyncadd.s32 $0xFFFF6000  }
0x1d3: {  	[hbm4b:s1+s2] =	stream.linear.scatter [tilespmem:s7], [sflag:$0x3], $0xA000, $0x38;
	[tilespmem:$0x15900] =	vst v63  }
0x1d4: {  	_ =	swait.ge [sflag:s3], $0xA000  }
0x1d5: {  	s28 =	sld [smem:$0x7F1]  }
0x1d6: {  	[sflag:s3] =	ssyncset.done $0x0  }
0x1d7: {  	s1 =	sld [smem:$0x7F2];
	[sflag:s3] =	ssyncadd.s32 $0xFFFF6000  }
0x1d8: {  	[tilespmem:s7], [sflag:$0x2] =	stream.indirect.gather [hbm4b:s4+s6], $0x40, s28, s6, $0xb8;
	[tilespmem:$0x15900] =	vst v63  }
0x1d9: {  	s28 =	sld [smem:$0x7F3]  }
0x1da: {  	[tilespmem:s10], [sflag:$0x2] =	stream.indirect.gather [hbm4b:s4+s6], $0x40, s1, s6, $0xb8;
	[tilespmem:$0x15900] =	vst v63  }
0x1db: {  	s1 =	sld [smem:$0x7F4]  }
0x1dc: {  	[tilespmem:s13], [sflag:$0x2] =	stream.indirect.gather [hbm4b:s4+s6], $0x40, s28, s6, $0xb8;
	[tilespmem:$0x15900] =	vst v63  }
0x1dd: {  	s28 =	sld [smem:$0x7F5]  }
0x1de: {  	[tilespmem:s15], [sflag:$0x2] =	stream.indirect.gather [hbm4b:s4+s6], $0x40, s1, s6, $0xb8;
	[tilespmem:$0x15900] =	vst v63  }
0x1df: {  	_ = 	snop  }
0x1e0: {  	[tilespmem:s17], [sflag:$0x2] =	stream.indirect.gather [hbm4b:s4+s6], $0x40, s28, s6, $0xb8;
	[tilespmem:$0x15900] =	vst v63  }
0x1e1: {  	_ =	swait.ge [sflag:s16], $0xA000  }
0x1e2: {  	[sflag:s16] =	ssyncset.done $0x0  }
0x1e3: {  	s1 =	rddreg [dreg:$0x9];
	[sflag:s16] =	ssyncadd.s32 $0xFFFF6000  }
0x1e4: {  	[hbm4b:s1+s2] =	stream.linear.scatter [tilespmem:s5], [sflag:$0x3], $0xA000, $0x38;
	[tilespmem:$0x15900] =	vst v63  }
0x1e5: {  	_ =	swait.ge [sflag:s3], $0xA000  }
0x1e6: {  	s28 =	sld [smem:$0x7F6]  }
0x1e7: {  	[sflag:s3] =	ssyncset.done $0x0  }
0x1e8: {  	s1 =	sld [smem:$0x7F7];
	[sflag:s3] =	ssyncadd.s32 $0xFFFF6000  }
0x1e9: {  	[tilespmem:s5], [sflag:$0x1] =	stream.indirect.gather [hbm4b:s4+s6], $0x40, s28, s6, $0xb8;
	[tilespmem:$0x15900] =	vst v63  }
0x1ea: {  	s28 =	sld [smem:$0x7F8]  }
0x1eb: {  	[tilespmem:s8], [sflag:$0x1] =	stream.indirect.gather [hbm4b:s4+s6], $0x40, s1, s6, $0xb8;
	[tilespmem:$0x15900] =	vst v63  }
0x1ec: {  	s1 =	sld [smem:$0x7F9]  }
0x1ed: {  	[tilespmem:s9], [sflag:$0x1] =	stream.indirect.gather [hbm4b:s4+s6], $0x40, s28, s6, $0xb8;
	[tilespmem:$0x15900] =	vst v63  }
0x1ee: {  	s28 =	sld [smem:$0x7FA]  }
0x1ef: {  	[tilespmem:s12], [sflag:$0x1] =	stream.indirect.gather [hbm4b:s4+s6], $0x40, s1, s6, $0xb8;
	[tilespmem:$0x15900] =	vst v63  }
0x1f0: {  	_ = 	snop  }
0x1f1: {  	[tilespmem:s14], [sflag:$0x1] =	stream.indirect.gather [hbm4b:s4+s6], $0x40, s28, s6, $0xb8;
	[tilespmem:$0x15900] =	vst v63  }
0x1f2: {  	_ =	swait.ge [sflag:s11], $0xA000  }
0x1f3: {  	[sflag:s11] =	ssyncset.done $0x0  }
0x1f4: {  	s1 =	rddreg [dreg:$0xa];
	[sflag:s11] =	ssyncadd.s32 $0xFFFF6000  }
0x1f5: {  	[hbm4b:s1+s2] =	stream.linear.scatter [tilespmem:s7], [sflag:$0x3], $0xA000, $0x38;
	[tilespmem:$0x15900] =	vst v63  }
0x1f6: {  	_ =	swait.ge [sflag:s3], $0xA000  }
0x1f7: {  	s28 =	sld [smem:$0x7FB]  }
0x1f8: {  	[sflag:s3] =	ssyncset.done $0x0  }
0x1f9: {  	s1 =	sld [smem:$0x7FC];
	[sflag:s3] =	ssyncadd.s32 $0xFFFF6000  }
0x1fa: {  	[tilespmem:s7], [sflag:$0x2] =	stream.indirect.gather [hbm4b:s4+s6], $0x40, s28, s6, $0xb8;
	[tilespmem:$0x15900] =	vst v63  }
0x1fb: {  	s28 =	sld [smem:$0x7FD]  }
0x1fc: {  	[tilespmem:s10], [sflag:$0x2] =	stream.indirect.gather [hbm4b:s4+s6], $0x40, s1, s6, $0xb8;
	[tilespmem:$0x15900] =	vst v63  }
0x1fd: {  	_ = 	snop  }
0x1fe: {  	[tilespmem:s13], [sflag:$0x2] =	stream.indirect.gather [hbm4b:s4+s6], $0x40, s28, s6, $0xb8;
	[tilespmem:$0x15900] =	vst v63  }
0x1ff: {  	_ = 	snop  }
0x200: {  	[tilespmem:s15], [sflag:$0x2] =	stream.indirect.gather [hbm4b:s4+s6], $0x40, s31, s6, $0xb8;
	[tilespmem:$0x15900] =	vst v63  }
0x201: {  	_ = 	snop  }
0x202: {  	[tilespmem:s17], [sflag:$0x2] =	stream.indirect.gather [hbm4b:s4+s6], $0x40, s23, s6, $0xb8;
	[tilespmem:$0x15900] =	vst v63  }
0x203: {  	_ =	swait.ge [sflag:s16], $0xA000  }
0x204: {  	[sflag:s16] =	ssyncset.done $0x0  }
0x205: {  	s23 =	rddreg [dreg:$0xb];
	[sflag:s16] =	ssyncadd.s32 $0xFFFF6000  }
0x206: {  	[hbm4b:s23+s2] =	stream.linear.scatter [tilespmem:s5], [sflag:$0x3], $0xA000, $0x38;
	[tilespmem:$0x15900] =	vst v63  }
0x207: {  	_ =	swait.ge [sflag:s3], $0xA000  }
0x208: {  	[sflag:s3] =	ssyncset.done $0x0  }
0x209: {  	[sflag:s3] =	ssyncadd.s32 $0xFFFF6000  }
0x20a: {  	[tilespmem:s5], [sflag:$0x1] =	stream.indirect.gather [hbm4b:s4+s6], $0x40, s24, s6, $0xb8;
	[tilespmem:$0x15900] =	vst v63  }
0x20b: {  	_ = 	snop  }
0x20c: {  	[tilespmem:s8], [sflag:$0x1] =	stream.indirect.gather [hbm4b:s4+s6], $0x40, s25, s6, $0xb8;
	[tilespmem:$0x15900] =	vst v63  }
0x20d: {  	_ = 	snop  }
0x20e: {  	[tilespmem:s9], [sflag:$0x1] =	stream.indirect.gather [hbm4b:s4+s6], $0x40, s26, s6, $0xb8;
	[tilespmem:$0x15900] =	vst v63  }
0x20f: {  	_ = 	snop  }
0x210: {  	[tilespmem:s12], [sflag:$0x1] =	stream.indirect.gather [hbm4b:s4+s6], $0x40, s29, s6, $0xb8;
	[tilespmem:$0x15900] =	vst v63  }
0x211: {  	_ = 	snop  }
0x212: {  	[tilespmem:s14], [sflag:$0x1] =	stream.indirect.gather [hbm4b:s4+s6], $0x40, s30, s6, $0xb8;
	[tilespmem:$0x15900] =	vst v63  }
0x213: {  	_ =	swait.ge [sflag:s11], $0xA000  }
0x214: {  	[sflag:s11] =	ssyncset.done $0x0  }
0x215: {  	s28 =	rddreg [dreg:$0xc];
	[sflag:s11] =	ssyncadd.s32 $0xFFFF6000  }
0x216: {  	[hbm4b:s28+s2] =	stream.linear.scatter [tilespmem:s7], [sflag:$0x3], $0xA000, $0x38;
	[tilespmem:$0x15900] =	vst v63  }
0x217: {  	_ =	swait.ge [sflag:s3], $0xA000  }
0x218: {  	[sflag:s3] =	ssyncset.done $0x0  }
0x219: {  	[sflag:s3] =	ssyncadd.s32 $0xFFFF6000  }
0x21a: {  	[tilespmem:s7], [sflag:$0x2] =	stream.indirect.gather [hbm4b:s4+s6], $0x40, s19, s6, $0xb8;
	[tilespmem:$0x15900] =	vst v63  }
0x21b: {  	_ = 	snop  }
0x21c: {  	[tilespmem:s10], [sflag:$0x2] =	stream.indirect.gather [hbm4b:s4+s6], $0x40, s20, s6, $0xb8;
	[tilespmem:$0x15900] =	vst v63  }
0x21d: {  	_ = 	snop  }
0x21e: {  	[tilespmem:s13], [sflag:$0x2] =	stream.indirect.gather [hbm4b:s4+s6], $0x40, s21, s6, $0xb8;
	[tilespmem:$0x15900] =	vst v63  }
0x21f: {  	_ = 	snop  }
0x220: {  	[tilespmem:s15], [sflag:$0x2] =	stream.indirect.gather [hbm4b:s4+s6], $0x40, s22, s6, $0xb8;
	[tilespmem:$0x15900] =	vst v63  }
0x221: {  	s29 =	simm.s32 $0x1880  }
0x222: {  	[tilespmem:s17], [sflag:$0x2] =	stream.indirect.gather [hbm4b:s4+s6], $0x40, s29, s6, $0xb8;
	[tilespmem:$0x15900] =	vst v63  }
0x223: {  	_ =	swait.ge [sflag:s16], $0xA000  }
0x224: {  	[sflag:s16] =	ssyncset.done $0x0  }
0x225: {  	s30 =	rddreg [dreg:$0x4];
	[sflag:s16] =	ssyncadd.s32 $0xFFFF6000  }
0x226: {  	[hbm4b:s30+s2] =	stream.linear.scatter [tilespmem:s5], [sflag:$0x3], $0xA000, $0x38;
	[tilespmem:$0x15900] =	vst v63  }
0x227: {  	_ =	swait.ge [sflag:s3], $0xA000  }
0x228: {  	[sflag:s3] =	ssyncset.done $0x0  }
0x229: {  	[sflag:s3] =	ssyncadd.s32 $0xFFFF6000  }
0x22a: {  	_ =	swait.ge [sflag:s11], $0xA000  }
0x22b: {  	[sflag:s11] =	ssyncset.done $0x0  }
0x22c: {  	s31 =	rddreg [dreg:$0x5];
	[sflag:s11] =	ssyncadd.s32 $0xFFFF6000  }
0x22d: {  	[hbm4b:s31+s2] =	stream.linear.scatter [tilespmem:s7], [sflag:$0x3], $0xA000, $0x38;
	[tilespmem:$0x15900] =	vst v63  }
0x22e: {  	_ =	swait.ge [sflag:s3], $0xA000  }
0x22f: {  	[sflag:s3] =	ssyncset.done $0x0  }
0x230: {  	[sflag:s3] =	ssyncadd.s32 $0xFFFF6000  }
0x231: {  	_ =	sfence.sel $0x180000  }
0x232: {  	[bflag:$0x0] =	sbarrier.arrive $0xFFFF  }
0x233: {  	_ =	strace $0x90000047  }
0x234: {  	[bflag:$0x2] =	sbarrier.arrive $0xFFFF  }
0x235: {  	p0 =	sne.s32 s18, $0x0;
	s0 =	rddreg [dreg:$0x2]  }
0x236: {  	s0 =	sadd.s32 @!p0 $0x100000, s0  }
0x237: {  	[sflag:s0] =	ssyncadd.tile.s32 @!p0 $0x1;
	_ =	shalt  }
.LBB2_1:
.Ltmp3:
0x238: {  	(pc) =	sbr.rel .LBB2_6-.Ltmp3, $4  }
0x239: {  	s23 =	simm.s32 $0x1380;
	s31 =	simm.s32 $0x1300  }
0x23a: {  	s30 =	simm.s32 $0x1600;
	s29 =	simm.s32 $0x1580;
	s26 =	simm.s32 $0x1500  }
0x23b: {  	s25 =	simm.s32 $0x1480;
	s24 =	simm.s32 $0x1400;
	s22 =	simm.s32 $0x1800  }
0x23c: {  	s21 =	simm.s32 $0x1780;
	s20 =	simm.s32 $0x1700;
	s19 =	simm.s32 $0x1680  }
.LBB2_3:
.Ltmp4:
0x23d: {  	(pc) =	sbr.rel .LBB2_6-.Ltmp4, $4  }
0x23e: {  	s23 =	simm.s32 $0x1380;
	s31 =	simm.s32 $0x1300;
	s30 =	simm.s32 $0x1600  }
0x23f: {  	s29 =	simm.s32 $0x1580;
	s26 =	simm.s32 $0x1500;
	s25 =	simm.s32 $0x1480  }
0x240: {  	s24 =	simm.s32 $0x1400;
	s22 =	simm.s32 $0x1800;
	s21 =	simm.s32 $0x1780  }
0x241: {  	s20 =	simm.s32 $0x1700;
	s19 =	simm.s32 $0x1680;
	s18 =	stileid.u32  }
.Lfunc_end2:
_tile_overlayer_lowered:
.L_overlay_start_2:
0x242: {  	(tag) =	ssettag $0x2  }
0x243: {  	s0 =	rddreg [dreg:$0x0];
	s2 =	stileid.u32  }
0x244: {  	s1 =	rddreg [dreg:$0x1];
	p0 =	sne.s32 s2, $0x0  }
0x245: {  	s3 =	rddreg [dreg:$0x2];
	[bflag:$0x3] =	sbarrier.arrive $0xFFFF;
	s2 =	simm.s32 @!p0 $0x1C03  }
0x246: {  	[timem:s3], [sflag:s2] =	dma.local @!p0 [hbm:s0], s1  }
0x247: {  	s0 =	simm.s32 @!p0 $0x3  }
0x248: {  	_ =	swait.ge @!p0 [sflag:s0], s1  }
0x249: {  	s1 =	ssub.s32 @!p0 $0x0, s1;
	[sflag:s0] =	ssyncset.done @!p0 $0x0  }
0x24a: {  	[sflag:s0] =	ssyncadd.s32 @!p0 s1  }
0x24b: {  	[bflag:$0x3] =	sbarrier.arrive $0xFFFF  }
0x24c: {  	_ =	shalt  }

// kernel: sparse-core-data-format-call.cloned.1.call-start
scs
called_computation_lowered:
.L_overlay_start_0:
0x0: {  	s2 =	sld [smem:$0x3FD9]  }
0x1: {  	s3 =	sld [smem:$0x3FFE];
	_ =	sdelay $0x1  }
0x2: {  	s1 =	srdreg.scid  }
0x3: {  	s0 =	sand.u32 $0x1, s1  }
0x4: {  	s18 =	sshll.u32 s0, $0xA;
	s2 =	sadd.s32 s3, s2  }
0x5: {  	s2 =	sadd.s32 s2, s18  }
0x6: {  	[smem:$0x3FC6] =	sst s2  }
0x7: {  	_ = 	snop  }
0x8: {  	s2 =	sld [smem:$0x3FD0];
	(tm) =	ssettm $0x1  }
0x9: {  	s19 =	sld [smem:$0x3FFB];
	_ =	sdelay $0x3  }
0xa: {  	_ =	strace s19  }
0xb: {  	s3 =	sld [smem:$0x3FFC];
	_ =	sdelay $0x3  }
0xc: {  	_ =	strace s3  }
0xd: {  	s3 =	sld [smem:$0x3FFD];
	_ =	sdelay $0x3  }
0xe: {  	_ =	strace s3  }
0xf: {  	_ =	strace $0x8FFFFFFF  }
0x10: {  	s20 =	sld [smem:$0x3FDB];
	_ =	sdelay $0x1  }
0x11: {  	s4 =	simm.s32 $_scs_section_size  }
0x12: {  	s5 =	simm.s32 $_size__tile_overlayer_lowered;
	s6 =	simm.s32 $_tile_overlayer_lowered  }
0x13: {  	s23 =	simm.s32 $0x1BFF;
	s22 =	sshll.u32 s6, $0x1;
	s3 =	sadd.s32 s4, s20  }
0x14: {  	s7 =	simm.s32 $0x0;
	s21 =	sshll.u32 s5, $0x1;
	s5 =	sadd.s32 s22, s3  }
0x15: {  	[timem:s7], [sflag:s23] =	dma.local [hbm:s5], s21  }
0x16: {  	_ =	swait.ge [sflag:s23], s21  }
0x17: {  	s4 =	ssub.s32 $0x0, s21;
	[sflag:s23] =	ssyncset.done $0x0  }
0x18: {  	[sflag:s23] =	ssyncadd.s32 s4;
	_ =	sdelay $0x1  }
0x19: {  	s24 =	simm.s32 $0x1B8B  }
0x1a: {  	_ =	swait.ge [sflag:s24], $0x1  }
0x1b: {  	[sflag:s24] =	ssyncset.done $0x0  }
0x1c: {  	s26 =	simm.s32 $0x1B8E;
	s25 =	sld [smem:$0x3FFE];
	[sflag:s24] =	ssyncadd.s32 $0xFFFFFFFF  }
0x1d: {  	s27 =	simm.s32 $execute0_lowered;
	[smem:$0x3FD2] =	sst s26  }
0x1e: {  	s5 =	sshll.u32 s27, $0x1;
	_ =	strace $0x80000049;
	[dreg:$0x1] =	wrdreg $0xFFFFFFFF  }
0x1f: {  	s28 =	simm.s32 $_size_execute0_lowered;
	s3 =	sadd.s32 s3, s5;
	[dreg:$0x0] =	wrdreg $0x0  }
0x20: {  	s5 =	sshll.u32 s28, $0x1;
	[dreg:$0x2] =	wrdreg s3  }
0x21: {  	[dreg:$0x3] =	wrdreg s5  }
0x22: {  	[dreg:$0x4] =	wrdreg $0xC0  }
0x23: {  	_ =	task [dreg:s7], $0x5FFFF  }
0x24: {  	[dreg:$0x1] =	wrdreg $0xFFFFFFFF  }
0x25: {  	[dreg:$0x0] =	wrdreg $0x60  }
0x26: {  	[dreg:$0x2] =	wrdreg s25  }
0x27: {  	[dreg:$0x3] =	wrdreg s2  }
0x28: {  	[dreg:$0x4] =	wrdreg $0x9  }
0x29: {  	_ =	task.clear_ibuf [dreg:s7], $0x5FFFF;
	_ =	strace $0x90000049  }
0x2a: {  	s29 =	simm.s32 $0x9;
	_ =	strace $0x8000004B  }
0x2b: {  	_ =	swait.ge [sflag:s29], $0x1  }
0x2c: {  	[sflag:s29] =	ssyncadd.s32 $0xFFFFFFFF  }
0x2d: {  	_ =	strace $0x9000004B  }
0x2e: {  	_ =	sfence  }
0x2f: {  	s30 =	sld [smem:$0x0];
	_ =	sdelay $0x2  }
0x30: {  	s31 =	sshll.u32 s1, $0xD;
	s1 =	sshrl.u32 s1, $0x2  }
0x31: {  	s3 =	sand.u32 $0x4000, s31;
	s1 =	sadd.s32 s1, s30  }
0x32: {  	s0 =	sor.u32 s3, s0;
	s1 =	sshll.u32 s1, $0x11  }
0x33: {  	s0 =	sor.u32 s1, s0  }
0x34: {  	s0 =	sadd.s32 $0x8F2B, s0  }
0x35: {  	[sflag:s0] =	ssyncadd.remote.s32 $0x1  }
0x36: {  	_ =	sfence.sel $0xFFFF  }
0x37: {  	[dreg:$0x0] =	wrdreg $0xFFFFFFFF;
	(pc) =	sbr.abs _section_cstart, $3  }
0x38: {  	[dreg:$0x1] =	wrdreg $0xFFFFFFFF  }
0x39: {  	_ =	task.clear_ibuf [dreg:s7], $0x2FFFF;
	_ =	strace $0x9FFFFFFF  }
0x3a: {  	(tm) =	ssettm $0x7FFFFFFF  }
0x3b: {  	_ =	shalt  }
tec
execute0_lowered:
.L_overlay_start_1:
0x0: {  	(tag) =	ssettag $0x1  }
0x1: {  	s0 =	srdreg.scid  }
0x2: {  	s1 =	sshll.u32 s0, $0x4  }
0x3: {  	s0 =	stileid.u32;
	s1 =	sand.u32 $0x10, s1  }
0x4: {  	s1 =	sor.u32 s0, s1  }
0x5: {  	s6 =	rddreg [dreg:$0x0];
	s4 =	simm.s32 $0x1;
	s2 =	sshll.u32 s1, $0x7  }
0x6: {  	s7 =	simm.s32 $0x2;
	s12 =	simm.s32 $0x0;
	s1 =	ssub.s32 $0x1000, s2  }
0x7: {  	s8 =	simm.s32 $0x8000;
	s13 =	simm.s32 $0x0;
	s3 =	sand.u32 $0xF80, s1  }
0x8: {  	s9 =	simm.s32 $0x0;
	s5 =	sshrl.u32 s1, $0xC;
	p0 =	sne.s32 s3, $0x0  }
.Ltmp0:
0x9: {  	s1 =	rddreg [dreg:$0x2];
	s4 =	simm.s32 @!p0 $0x0;
	(pc) =	sbr.rel .LBB1_1-.Ltmp0, $4  }
0xa: {  	s11 =	simm.s32 $0x0;
	s3 =	rddreg [dreg:$0x1];
	s5 =	sadd.s32 s4, s5  }
0xb: {  	_ =	strace $0x8000004A;
	s4 =	simm.s32 $0x1;
	s5 =	smul.u32 $0x32, s5  }
0xc: {  	s6 =	sadd.s32 $0x800, s6;
	s10 =	smov.u32 s2;
	[sflag:s4] =	ssyncpa.u1 $0x0  }
0xd: {  	p0 =	por $0x0, $0x0;
	[sflag:s7] =	ssyncpa.u1 $0x0;
	s7 =	sor.u32 $0x1, s5  }
.LBB1_4:
0xe: {  	s16 =	sshll.u32 s13, $0x3;
	s17 =	sand.u32 $0x78, s13  }
0xf: {  	s30 =	sand.u32 $0x7E00, s13;
	s12 =	sshll.u32 s12, $0xF;
	s16 =	sand.u32 $0xC00, s16  }
0x10: {  	[tilespmem:s15+$0x810 ss:$0x81] =	vst.msk $0xffff, v2;
	s31 =	sand.u32 $0x7, s13;
	s16 =	sor.u32 s17, s16;
	s17 =	sadd.s32 s3, s30  }
0x11: {  	[tilespmem:s15+$0x1020 ss:$0x81] =	vst.msk $0xffff, v0;
	s13 =	sshll.u32 s31, $0x12;
	s12 =	sadd.s32 s12, s17;
	s16 =	sshrl.u32 s16, $0x3  }
0x12: {  	[tilespmem:s15+$0x0 ss:$0x81] =	vst.msk $0xffff, v1;
	s13 =	sor.u32 $0x400, s13;
	s12 =	sadd.s32 s16, s12  }
0x13: {  	[hbm4b:s12+s13] =	stream.strided.scatter [tilespmem:s14], [sflag:$0x2], $0x2000, s8, s13, $0x20;
	[tilespmem:$0x8080] =	vst v63  }
.LBB1_5:
0x14: {  	s14 =	sadd.s32 $0x1, s9  }
0x15: {  	s12 =	sadd.s32 $0x1000, s10;
	s16 =	smov.u32 s10;
	p2 =	sgt.s32 s14, $0x31  }
0x16: {  	s16 =	smov.u32 @p2 s12  }
0x17: {  	s14 =	simm.s32 @p2 $0x0;
	p2 =	sgt.s32 s16, $0xFFF  }
0x18: {  	s16 =	smov.u32 @p2 s2;
	p2 =	sne.s32 s11, s7  }
.Ltmp1:
0x19: {  	p1 =	slt.u32 s11, $0x2;
	(pc) =	sbr.rel @!p2 .LBB1_6-.Ltmp1, $4  }
0x1a: {  	s15 =	simm.s32 @!p1 $0x2  }
0x1b: {  	s13 =	smov.u32 s10;
	p0 =	por !p0, !p0;
	_ =	swait.ge @!p1 [sflag:s15], $0x2000  }
0x1c: {  	s12 =	smov.u32 s9;
	[sflag:s15] =	ssyncset.done @!p1 $0x0;
	s9 =	smov.u32 s14  }
0x1d: {  	s11 =	sadd.s32 $0x1, s11;
	[sflag:s15] =	ssyncadd.s32 @!p1 $0xFFFFE000;
	s10 =	smov.u32 s16  }
.LBB1_1:
0x1e: {  	p1 =	sge.u32 s11, s5  }
0x1f: {  	s14 =	sand.u32 @!p1 $0x1FFFFFF, s9  }
0x20: {  	s15 =	smulhi.u32 @!p1 $0x4924925, s14;
	_ =	sdelay $0x1  }
0x21: {  	s15 =	smul.u32 @!p1 $0x38, s15  }
0x22: {  	s16 =	sxor.u32 @!p1 $0xFFFFFFFF, s11;
	s17 =	smul.u32 @!p1 $0x380, s10  }
0x23: {  	s31 =	sadd.s32 $0xFFFFFFFF, s11;
	s16 =	sshll.u32 @!p1 s16, $0xD;
	s14 =	ssub.s32 @!p1 s14, s15  }
0x24: {  	s15 =	sand.u32 @!p1 $0x2000, s16;
	s16 =	sadd.s32 @!p1 s6, s17;
	s14 =	sshll.u32 @!p1 s14, $0x4  }
0x25: {  	s17 =	simm.s32 @!p1 $0x1C00;
	s14 =	sadd.s32 @!p1 s14, s16;
	s16 =	simm.s32 @!p1 $0x40  }
0x26: {  	[tilespmem:s15], [sflag:$0x1] =	stream.strided.gather @!p1 [hbm4b:s14+s16], $0x2000, s17, s16, $0x38;
	[tilespmem:$0x8080] =	vst v63  }
0x27: {  	p1 =	sge.u32 s31, s5  }
.Ltmp2:
0x28: {  	_ = 	snop;
	(pc) =	sbr.rel @p1 .LBB1_5-.Ltmp2, $1  }
0x29: {  	_ =	sdelay $0x3  }
0x2a: {  	s14 =	simm.s32 $0x1  }
0x2b: {  	_ =	swait.ge [sflag:s4], $0x2000;
	s14 =	simm.s32 @!p0 $0x0  }
0x2c: {  	[sflag:s4] =	ssyncset.done $0x0;
	s15 =	sshll.u32 s14, $0xD  }
0x2d: {  	[sflag:s4] =	ssyncadd.s32 $0xFFFFE000;
	s18 =	sor.u32 $0x20, s15  }
0x2e: {  	s14 =	smul.u32 $0x8100, s14;
	v3 =	vld [tilespmem:s18+$0x10]  }
0x2f: {  	s30 =	sand.u32 $0x1, s11;
	v2 =	vld [tilespmem:s18+$0xFFFFFFF0]  }
0x30: {  	s15 =	smul.u32 $0x8100, s30;
	s14 =	sshrl.u32 s14, $0x2;
	v0 =	vld [tilespmem:s18+$0x0]  }
0x31: {  	v1 =	vld [tilespmem:s18+$0xFFFFFFE0];
	s16 =	sor.u32 $0x4000, s14  }
0x32: {  	s31 =	sshrl.u32 s15, $0x2;
	s15 =	sadd.s32 $0x0, s16  }
0x33: {  	s17 =	simm.s32 $0x4;
	s18 =	sadd.s32 $0x40, s18;
	s14 =	sor.u32 $0x4000, s31;
	[tilespmem:s15+$0x1830 ss:$0x81] =	vst.msk $0xffff, v3  }
.LBB1_3:
0x34: {  	v3 =	vld [tilespmem:s18+$0x10];
	p1 =	sne.s32 s17, $0x1FC;
	[tilespmem:s15+$0x810 ss:$0x81] =	vst.msk $0xffff, v2;
	s19 =	smov.u32 s17;
	s17 =	sadd.s32 $0x4, s17  }
.Ltmp3:
0x35: {  	v2 =	vld [tilespmem:s18+$0xFFFFFFF0];
	[tilespmem:s15+$0x1020 ss:$0x81] =	vst.msk $0xffff, v0;
	(pc) =	sbr.rel @p1 .LBB1_3-.Ltmp3, $4  }
0x36: {  	v0 =	vld [tilespmem:s18+$0x0];
	[tilespmem:s15+$0x0 ss:$0x81] =	vst.msk $0xffff, v1  }
0x37: {  	s15 =	sshra.s32 s19, $0x2;
	v1 =	vld [tilespmem:s18+$0xFFFFFFE0]  }
0x38: {  	s15 =	sadd.s32 s15, s16  }
0x39: {  	s18 =	sadd.s32 $0x40, s18;
	[tilespmem:s15+$0x1830 ss:$0x81] =	vst.msk $0xffff, v3  }
.Ltmp4:
0x3a: {  	_ = 	snop;
	(pc) =	sbr.rel .LBB1_4-.Ltmp4, $1  }
0x3b: {  	_ =	sdelay $0x3  }
.LBB1_6:
0x3c: {  	_ =	sfence.sel $0x180000  }
0x3d: {  	s2 =	simm.s32 $0x1;
	[bflag:$0x0] =	sbarrier.arrive $0xFFFF  }
0x3e: {  	s31 =	simm.s32 $0x2;
	[sflag:s2] =	ssyncpa.u1 $0x1  }
0x3f: {  	[sflag:s31] =	ssyncpa.u1 $0x1  }
0x40: {  	p0 =	sne.s32 s0, $0x0;
	_ =	strace $0x9000004A  }
0x41: {  	s0 =	sadd.s32 @!p0 $0x100000, s1;
	[bflag:$0x2] =	sbarrier.arrive $0xFFFF  }
0x42: {  	[sflag:s0] =	ssyncadd.tile.s32 @!p0 $0x1;
	_ =	shalt  }
.Lfunc_end1:
_tile_overlayer_lowered:
.L_overlay_start_2:
0x43: {  	(tag) =	ssettag $0x2  }
0x44: {  	s0 =	rddreg [dreg:$0x0];
	s2 =	stileid.u32  }
0x45: {  	s1 =	rddreg [dreg:$0x1];
	p0 =	sne.s32 s2, $0x0  }
0x46: {  	s3 =	rddreg [dreg:$0x2];
	[bflag:$0x3] =	sbarrier.arrive $0xFFFF;
	s2 =	simm.s32 @!p0 $0x1C01  }
0x47: {  	[timem:s3], [sflag:s2] =	dma.local @!p0 [hbm:s0], s1  }
0x48: {  	s0 =	simm.s32 @!p0 $0x1  }
0x49: {  	_ =	swait.ge @!p0 [sflag:s0], s1  }
0x4a: {  	s1 =	ssub.s32 @!p0 $0x0, s1;
	[sflag:s0] =	ssyncset.done @!p0 $0x0  }
0x4b: {  	[sflag:s0] =	ssyncadd.s32 @!p0 s1  }
0x4c: {  	[bflag:$0x3] =	sbarrier.arrive $0xFFFF  }
0x4d: {  	_ =	shalt  }

</sc_bundles>
